<compile_context>
chip_gen: v7x
topology: tpu7x:2x2x1
jax: 0.10.2.dev20260603
libtpu: 0.0.44.dev20260713+nightly
codegen_flags: <defaults>
</compile_context>

<pallas_src>
import jax
import jax.numpy as jnp
from jax import lax
from jax.experimental import pallas as pl
from jax.experimental.pallas import tpu as pltpu
from jax.experimental.pallas import tpu_sc as plsc

E = 50000
T = 800000
R = 512
D = 768
B = 32
L = 32
STEPS = 2

NC = 2
NS = 16
LANES = 16

CH = 8000
NCH = T // CH
UNROLL = 10


def _question_body(qe_ref, qwh_ref, mask_ref, w0_ref, b0_ref, w1_ref, b1_ref,
                   wr_ref, br_ref, wh_ref, bh_ref, sj_ref, rl_ref, ob_ref,
                   wa0_ref, wa1_ref, rel0_ref, rel1_ref, hop_ref, pack_ref,
                   ob2_ref):
    pack_ref[...] = sj_ref[...] | (rl_ref[...] << 16)
    ob2_ref[...] = ob_ref[:, 0, :] | (ob_ref[:, 1, :] << 16)
    qe = qe_ref[...]
    qwh = qwh_ref[...]
    msk = mask_ref[...]
    steps = ((w0_ref, b0_ref, wa0_ref, rel0_ref),
             (w1_ref, b1_ref, wa1_ref, rel1_ref))
    for w_ref, b_ref, wa_out, rel_out in steps:
        cq = jnp.tanh(
            jnp.dot(qe, w_ref[...], preferred_element_type=jnp.float32)
            + b_ref[...])
        logits = jnp.sum(cq[:, None, :] * qwh, axis=2)
        qd = jax.nn.softmax(logits, axis=1)
        qd = qd * msk
        qd = qd / (jnp.sum(qd, axis=1, keepdims=True) + 1e-6)
        wa_out[...] = qd
        ctx = jnp.sum(qd[:, :, None] * qwh, axis=1)
        rl = (jnp.dot(ctx, wr_ref[...], preferred_element_type=jnp.float32)
              + br_ref[...])
        rel_out[...] = jax.nn.sigmoid(rl)
    hop_full = (jnp.dot(qe, wh_ref[...], preferred_element_type=jnp.float32)
                + bh_ref[...])
    hop_ref[...] = jax.nn.softmax(hop_full[:, :STEPS], axis=1)


_question_call = pl.pallas_call(
    _question_body,
    out_shape=(
        jax.ShapeDtypeStruct((B, L), jnp.float32),
        jax.ShapeDtypeStruct((B, L), jnp.float32),
        jax.ShapeDtypeStruct((B, R), jnp.float32),
        jax.ShapeDtypeStruct((B, R), jnp.float32),
        jax.ShapeDtypeStruct((B, STEPS), jnp.float32),
        jax.ShapeDtypeStruct((T // 128, 128), jnp.int32),
        jax.ShapeDtypeStruct((T // CH, CH // 2), jnp.int32),
    ),
)


def _sc_body(heads_hbm, rel0_hbm, rel1_hbm, sr_hbm, ob2_hbm,
             ent0_hbm, ent1_hbm,
             e_v, acc_v, r_v, sr_v, ob2_v, sem_a, sem_b, sem_w):
    b = lax.axis_index("s") * NC + lax.axis_index("c")

    zero16 = jnp.zeros((LANES,), jnp.float32)
    one16 = jnp.ones((LANES,), jnp.float32)

    def fire(c, slot, sem):
        pltpu.async_copy(sr_hbm.at[pl.ds(c * CH, CH)],
                         sr_v.at[pl.ds(slot * CH, CH)], sem)
        pltpu.async_copy(ob2_hbm.at[pl.ds(c * (CH // 2), CH // 2)],
                         ob2_v.at[pl.ds(slot * (CH // 2), CH // 2)], sem)

    def drain(sem):
        pltpu.make_async_copy(sr_hbm.at[pl.ds(0, CH)],
                              sr_v.at[pl.ds(0, CH)], sem).wait()
        pltpu.make_async_copy(ob2_hbm.at[pl.ds(0, CH // 2)],
                              ob2_v.at[pl.ds(0, CH // 2)], sem).wait()

    def compute(slot):
        soff = slot * CH
        ooff = slot * (CH // 2)

        @plsc.parallel_loop(0, CH // (2 * LANES), step=1, unroll=UNROLL)
        def _(k):
            o = k * LANES
            sr_a = sr_v[pl.ds(soff + o, LANES)]
            sr_b = sr_v[pl.ds(soff + CH // 2 + o, LANES)]
            ov = ob2_v[pl.ds(ooff + o, LANES)]
            ev_a = plsc.load_gather(e_v, [sr_a & 0xFFFF])
            rv_a = plsc.load_gather(r_v, [lax.shift_right_logical(sr_a, 16)])
            plsc.addupdate_scatter(acc_v, [ov & 0xFFFF], ev_a * rv_a)
            ev_b = plsc.load_gather(e_v, [sr_b & 0xFFFF])
            rv_b = plsc.load_gather(r_v, [lax.shift_right_logical(sr_b, 16)])
            plsc.addupdate_scatter(
                acc_v, [lax.shift_right_logical(ov, 16)], ev_b * rv_b)

    fire(0, 0, sem_a)
    pltpu.sync_copy(heads_hbm.at[pl.ds(b * E, E)], e_v)

    @plsc.parallel_loop(0, E // LANES, step=1, unroll=5)
    def _(j):
        acc_v[pl.ds(j * LANES, LANES)] = zero16

    def traverse(r_hbm):
        pltpu.sync_copy(r_hbm.at[pl.ds(b * R, R)], r_v)

        def pair_body(p, carry):
            c0 = 2 * p
            fire(c0 + 1, 1, sem_b)
            drain(sem_a)
            compute(0)
            fire(jnp.minimum(c0 + 2, NCH - 2), 0, sem_a)
            drain(sem_b)
            compute(1)
            return carry

        lax.fori_loop(0, NCH // 2, pair_body, 0)
        drain(sem_a)

    traverse(rel0_hbm)
    fire(0, 0, sem_a)

    @plsc.parallel_loop(0, E // LANES, step=1, unroll=5)
    def _(j):
        o = j * LANES
        x = acc_v[pl.ds(o, LANES)]
        e_v[pl.ds(o, LANES)] = jnp.minimum(x, one16)
        acc_v[pl.ds(o, LANES)] = zero16

    ent0_copy = pltpu.async_copy(e_v, ent0_hbm.at[pl.ds(b * E, E)], sem_w)

    traverse(rel1_hbm)
    ent0_copy.wait()

    @plsc.parallel_loop(0, E // LANES, step=1, unroll=5)
    def _(j):
        o = j * LANES
        e_v[pl.ds(o, LANES)] = jnp.minimum(acc_v[pl.ds(o, LANES)], one16)

    pltpu.sync_copy(e_v, ent1_hbm.at[pl.ds(b * E, E)])


import functools


@functools.lru_cache(maxsize=1)
def _get_sc_follow():
    return pl.kernel(
        _sc_body,
        out_type=(
            jax.ShapeDtypeStruct((B * E,), jnp.float32),
            jax.ShapeDtypeStruct((B * E,), jnp.float32),
        ),
        mesh=plsc.VectorSubcoreMesh(
            core_axis_name="c", subcore_axis_name="s",
            num_cores=NC, num_subcores=NS),
        compiler_params=pltpu.CompilerParams(needs_layout_passes=False),
        scratch_types=[
            pltpu.VMEM((E,), jnp.float32),
            pltpu.VMEM((E,), jnp.float32),
            pltpu.VMEM((R,), jnp.float32),
            pltpu.VMEM((2 * CH,), jnp.int32),
            pltpu.VMEM((CH,), jnp.int32),
            pltpu.SemaphoreType.DMA,
            pltpu.SemaphoreType.DMA,
            pltpu.SemaphoreType.DMA,
        ],
    )


def _combine_body(ent0_ref, ent1_ref, hop_ref, out_ref):
    h0 = hop_ref[:, 0:1]
    h1 = hop_ref[:, 1:2]
    out_ref[...] = h0 * ent0_ref[...] + h1 * ent1_ref[...]


_combine_call = pl.pallas_call(
    _combine_body,
    grid=(4,),
    in_specs=[
        pl.BlockSpec((B // 4, E), lambda i: (i, 0)),
        pl.BlockSpec((B // 4, E), lambda i: (i, 0)),
        pl.BlockSpec((B // 4, STEPS), lambda i: (i, 0)),
    ],
    out_specs=pl.BlockSpec((B // 4, E), lambda i: (i, 0)),
    out_shape=jax.ShapeDtypeStruct((B, E), jnp.float32),
)


@jax.jit
def kernel(heads, q_embeddings, q_word_h, attention_mask,
           subj_idx, rel_idx, obj_idx,
           W_step0, b_step0, W_step1, b_step1,
           W_rel, b_rel, W_hop, b_hop):
    wa0, wa1, rel0, rel1, hop, packed_sr, packed_ob = _question_call(
        q_embeddings, q_word_h, attention_mask,
        W_step0, b_step0.reshape(1, D), W_step1, b_step1.reshape(1, D),
        W_rel, b_rel.reshape(1, R), W_hop, b_hop.reshape(1, STEPS),
        subj_idx.reshape(T // 128, 128), rel_idx.reshape(T // 128, 128),
        obj_idx.reshape(T // CH, 2, CH // 2))

    ent0f, ent1f = _get_sc_follow()(
        heads.reshape(B * E), rel0.reshape(B * R), rel1.reshape(B * R),
        packed_sr.reshape(T), packed_ob.reshape(T // 2))
    ent0 = ent0f.reshape(B, E)
    ent1 = ent1f.reshape(B, E)

    e_score = _combine_call(ent0, ent1, hop)
    return (e_score, wa0, wa1, rel0, rel1, ent0, ent1, hop)

# --- scband reference (transcript-rebuilt; emitter-appended) ---
"""Pipeline reference for scband-transfer-net-39711267619325 (READ-ONLY COPY).

The authoritative reference and input builder live on the scoring server;
editing this copy changes nothing except your own understanding.
"""

import jax, jax.numpy as jnp
import numpy as np

E = 50000   # num entities
T = 800000  # num triples
R = 512     # num relations
D = 768     # bert hidden dim
B = 32      # batch
L = 32      # question seq len
STEPS = 2


def setup_inputs(seed: int = 0) -> dict:
    key = jax.random.key(seed)
    ks = jax.random.split(key, 16)
    heads = jax.random.uniform(ks[0], (B, E), dtype=jnp.float32)
    q_embeddings = jax.random.normal(ks[1], (B, D), dtype=jnp.float32)
    q_word_h = jax.random.normal(ks[2], (B, L, D), dtype=jnp.float32)
    attention_mask = jnp.ones((B, L), dtype=jnp.float32)
    subj_idx = jax.random.randint(ks[3], (T,), 0, E, dtype=jnp.int32)
    rel_idx = jax.random.randint(ks[4], (T,), 0, R, dtype=jnp.int32)
    obj_idx = jax.random.randint(ks[5], (T,), 0, E, dtype=jnp.int32)
    # learned parameters
    W_step0 = jax.random.normal(ks[6], (D, D), dtype=jnp.float32) * 0.02
    b_step0 = jnp.zeros((D,), dtype=jnp.float32)
    W_step1 = jax.random.normal(ks[7], (D, D), dtype=jnp.float32) * 0.02
    b_step1 = jnp.zeros((D,), dtype=jnp.float32)
    W_rel = jax.random.normal(ks[8], (D, R), dtype=jnp.float32) * 0.02
    b_rel = jnp.zeros((R,), dtype=jnp.float32)
    W_hop = jax.random.normal(ks[9], (D, STEPS), dtype=jnp.float32) * 0.02
    b_hop = jnp.zeros((STEPS,), dtype=jnp.float32)
    return {
        'heads': heads, 'q_embeddings': q_embeddings, 'q_word_h': q_word_h,
        'attention_mask': attention_mask,
        'subj_idx': subj_idx, 'rel_idx': rel_idx, 'obj_idx': obj_idx,
        'W_step0': W_step0, 'b_step0': b_step0, 'W_step1': W_step1, 'b_step1': b_step1,
        'W_rel': W_rel, 'b_rel': b_rel, 'W_hop': W_hop, 'b_hop': b_hop,
    }


def _follow(e, r, subj_idx, rel_idx, obj_idx):
    # torch.sparse.mm(Msubj, e.t()) gathers e at subj per triple;
    # torch.sparse.mm(Mrel, r.t()) gathers r at rel per triple;
    # torch.sparse.mm(Mobj.t(), x) scatter-adds onto obj entities.
    x = e[:, subj_idx] * r[:, rel_idx]                       # [B, T]
    out = jnp.zeros((e.shape[0], e.shape[1]), dtype=x.dtype)
    out = out.at[:, obj_idx].add(x)                          # [B, E]
    return out


def reference(heads, q_embeddings, q_word_h, attention_mask,
              subj_idx, rel_idx, obj_idx,
              W_step0, b_step0, W_step1, b_step1,
              W_rel, b_rel, W_hop, b_hop):
    step_W = [W_step0, W_step1]
    step_b = [b_step0, b_step1]
    last_e = heads
    word_attns = []
    rel_probs = []
    ent_probs = []
    for t in range(STEPS):
        cq_t = jnp.tanh(q_embeddings @ step_W[t] + step_b[t])            # [B, D]
        q_logits = jnp.sum(cq_t[:, None, :] * q_word_h, axis=2)         # [B, L]
        q_dist = jax.nn.softmax(q_logits, axis=1)
        q_dist = q_dist * attention_mask
        q_dist = q_dist / (jnp.sum(q_dist, axis=1, keepdims=True) + 1e-6)
        word_attns.append(q_dist)
        ctx_h = jnp.einsum('bl,bld->bd', q_dist, q_word_h)              # [B, D]
        rel_logit = ctx_h @ W_rel + b_rel                                # [B, R]
        rel_dist = jax.nn.sigmoid(rel_logit)
        rel_probs.append(rel_dist)
        last_e = _follow(last_e, rel_dist, subj_idx, rel_idx, obj_idx)
        m = (last_e > 1).astype(last_e.dtype)
        z = jax.lax.stop_gradient(m * last_e + (1 - m))
        last_e = last_e / z
        ent_probs.append(last_e)
    hop_res = jnp.stack(ent_probs, axis=1)                               # [B, S, E]
    hop_attn = jax.nn.softmax(q_embeddings @ W_hop + b_hop, axis=1)[:, :, None]
    e_score = jnp.sum(hop_res * hop_attn, axis=1)                        # [B, E]
    return (e_score, word_attns[0], word_attns[1], rel_probs[0], rel_probs[1],
            ent_probs[0], ent_probs[1], hop_attn[:, :, 0])

if __name__ == "__main__":
    import jax
    _d = setup_inputs()
    print(jax.jit(kernel)(*tuple(_d.values())))

</pallas_src>

<mosaic_0001>
#map = affine_map<(d0, d1) -> (0)>
module attributes {stable_mosaic.version = 14 : i64} {
  func.func @_sc_body(%arg0: i32, %arg1: i32, %arg2: memref<1600000xf32, #tpu.memory_space<hbm>>, %arg3: memref<16384xf32, #tpu.memory_space<hbm>>, %arg4: memref<16384xf32, #tpu.memory_space<hbm>>, %arg5: memref<800000xi32, #tpu.memory_space<hbm>>, %arg6: memref<400000xi32, #tpu.memory_space<hbm>>, %arg7: memref<1600000xf32, #tpu.memory_space<hbm>>, %arg8: memref<1600000xf32, #tpu.memory_space<hbm>>, %arg9: memref<50000xf32, #tpu.memory_space<vmem>>, %arg10: memref<50000xf32, #tpu.memory_space<vmem>>, %arg11: memref<512xf32, #tpu.memory_space<vmem>>, %arg12: memref<16000xi32, #tpu.memory_space<vmem>>, %arg13: memref<8000xi32, #tpu.memory_space<vmem>>, %arg14: memref<!tpu.dma_semaphore, #tpu.memory_space<semaphore_mem>>, %arg15: memref<!tpu.dma_semaphore, #tpu.memory_space<semaphore_mem>>, %arg16: memref<!tpu.dma_semaphore, #tpu.memory_space<semaphore_mem>>) attributes {dimension_semantics = [#tpu.dimension_semantics<core_parallel>, #tpu.dimension_semantics<subcore_parallel>], iteration_bounds = array<i64: 2, 16>, scalar_prefetch = 0 : i64, scratch_operands = 8 : i64, tpu.core_type = #tpu.core_type<sc_vector_subcore>, window_params = [{transform_indices = #map}, {transform_indices = #map}, {transform_indices = #map}, {transform_indices = #map}, {transform_indices = #map}, {transform_indices = #map}, {transform_indices = #map}]} {
    %mul3A = arith.constant 2 : i32
    %mul3A_0 = arith.muli %arg1, %mul3A : i32
    %add3A = arith.addi %mul3A_0, %arg0 : i32
    %broadcast_in_dim3A = arith.constant 0.000000e+00 : f32
    %broadcast_in_dim3A_1 = vector.broadcast %broadcast_in_dim3A : f32 to vector<16xf32>
    %broadcast_in_dim3A_2 = arith.constant 1.000000e+00 : f32
    %broadcast_in_dim3A_3 = vector.broadcast %broadcast_in_dim3A_2 : f32 to vector<16xf32>
    %dma_start3A = arith.constant 0 : i32
    %dma_start3A_4 = tpu.memref_slice %arg12[%dma_start3A] : memref<16000xi32, #tpu.memory_space<vmem>> -> memref<8000xi32, #tpu.memory_space<vmem>>
    %dma_start3A_5 = arith.constant 0 : i32
    %dma_start3A_6 = tpu.memref_slice %arg5[%dma_start3A_5] : memref<800000xi32, #tpu.memory_space<hbm>> -> memref<8000xi32, #tpu.memory_space<hbm>>
    %dma_start3A_7 = arith.constant 0 : i32
    %dma_start3A_8 = tpu.memref_slice %arg12[%dma_start3A_7] : memref<16000xi32, #tpu.memory_space<vmem>> -> memref<8000xi32, #tpu.memory_space<vmem>>
    %dma_start3A_9 = arith.constant 0 : i32
    %dma_start3A_10 = tpu.memref_slice %arg5[%dma_start3A_9] : memref<800000xi32, #tpu.memory_space<hbm>> -> memref<8000xi32, #tpu.memory_space<hbm>>
    tpu.enqueue_dma source(%dma_start3A_10 : memref<8000xi32, #tpu.memory_space<hbm>>) target(%dma_start3A_8 : memref<8000xi32, #tpu.memory_space<vmem>>) target_semaphore(%arg14 : memref<!tpu.dma_semaphore, #tpu.memory_space<semaphore_mem>>)
    %dma_start3A_11 = arith.constant 0 : i32
    %dma_start3A_12 = tpu.memref_slice %arg13[%dma_start3A_11] : memref<8000xi32, #tpu.memory_space<vmem>> -> memref<4000xi32, #tpu.memory_space<vmem>>
    %dma_start3A_13 = arith.constant 0 : i32
    %dma_start3A_14 = tpu.memref_slice %arg6[%dma_start3A_13] : memref<400000xi32, #tpu.memory_space<hbm>> -> memref<4000xi32, #tpu.memory_space<hbm>>
    %dma_start3A_15 = arith.constant 0 : i32
    %dma_start3A_16 = tpu.memref_slice %arg13[%dma_start3A_15] : memref<8000xi32, #tpu.memory_space<vmem>> -> memref<4000xi32, #tpu.memory_space<vmem>>
    %dma_start3A_17 = arith.constant 0 : i32
    %dma_start3A_18 = tpu.memref_slice %arg6[%dma_start3A_17] : memref<400000xi32, #tpu.memory_space<hbm>> -> memref<4000xi32, #tpu.memory_space<hbm>>
    tpu.enqueue_dma source(%dma_start3A_18 : memref<4000xi32, #tpu.memory_space<hbm>>) target(%dma_start3A_16 : memref<4000xi32, #tpu.memory_space<vmem>>) target_semaphore(%arg14 : memref<!tpu.dma_semaphore, #tpu.memory_space<semaphore_mem>>)
    %mul3A_19 = arith.constant 50000 : i32
    %mul3A_20 = arith.muli %add3A, %mul3A_19 : i32
    "tpu.region"() ({
      %run_scoped3A = tpu.sem_alloc : memref<!tpu.dma_semaphore, #tpu.memory_space<semaphore_mem>>
      %dma_start3A_99 = tpu.memref_slice %arg2[%mul3A_20] : memref<1600000xf32, #tpu.memory_space<hbm>> -> memref<50000xf32, #tpu.memory_space<hbm>>
      %dma_start3A_100 = tpu.memref_slice %arg2[%mul3A_20] : memref<1600000xf32, #tpu.memory_space<hbm>> -> memref<50000xf32, #tpu.memory_space<hbm>>
      tpu.enqueue_dma source(%dma_start3A_100 : memref<50000xf32, #tpu.memory_space<hbm>>) target(%arg9 : memref<50000xf32, #tpu.memory_space<vmem>>) target_semaphore(%run_scoped3A : memref<!tpu.dma_semaphore, #tpu.memory_space<semaphore_mem>>)
      %dma_wait3A_101 = tpu.memref_slice %arg2[%mul3A_20] : memref<1600000xf32, #tpu.memory_space<hbm>> -> memref<50000xf32, #tpu.memory_space<hbm>>
      %dma_wait3A_102 = tpu.memref_slice %arg2[%mul3A_20] : memref<1600000xf32, #tpu.memory_space<hbm>> -> memref<50000xf32, #tpu.memory_space<hbm>>
      tpu.wait_dma2 semaphore(%run_scoped3A : memref<!tpu.dma_semaphore, #tpu.memory_space<semaphore_mem>>) src(%dma_wait3A_102 : memref<50000xf32, #tpu.memory_space<hbm>>) dst(%arg9 : memref<50000xf32, #tpu.memory_space<vmem>>)
      tpu.yield
    }) : () -> ()
    %parallel_loop3A = arith.constant 0 : i32
    %parallel_loop3A_21 = arith.constant 3125 : i32
    %parallel_loop3A_22 = arith.constant 1 : i32
    scf.for %parallel_loop3A_99 = %parallel_loop3A to %parallel_loop3A_21 step %parallel_loop3A_22  : i32 {
      %parallel_loop3A_100 = arith.constant 16 : i32
      %parallel_loop3A_101 = arith.muli %parallel_loop3A_99, %parallel_loop3A_100 : i32
      %parallel_loop3A_102 = arith.index_cast %parallel_loop3A_101 : i32 to index
      %parallel_loop3A_103 = tpu.vector_load %arg10[%parallel_loop3A_102] {strides = array<i32>} : memref<50000xf32, #tpu.memory_space<vmem>>, vector<16xf32>,
      tpu.vector_store %arg10[%parallel_loop3A_102], %broadcast_in_dim3A_1 {strides = array<i32>} : memref<50000xf32, #tpu.memory_space<vmem>>, vector<16xf32>,
    } {sc.loop_unroll_factor = 5 : i64, sc.parallel_access}
    %mul3A_23 = arith.constant 512 : i32
    %mul3A_24 = arith.muli %add3A, %mul3A_23 : i32
    "tpu.region"() ({
      %run_scoped3A = tpu.sem_alloc : memref<!tpu.dma_semaphore, #tpu.memory_space<semaphore_mem>>
      %dma_start3A_99 = tpu.memref_slice %arg3[%mul3A_24] : memref<16384xf32, #tpu.memory_space<hbm>> -> memref<512xf32, #tpu.memory_space<hbm>>
      %dma_start3A_100 = tpu.memref_slice %arg3[%mul3A_24] : memref<16384xf32, #tpu.memory_space<hbm>> -> memref<512xf32, #tpu.memory_space<hbm>>
      tpu.enqueue_dma source(%dma_start3A_100 : memref<512xf32, #tpu.memory_space<hbm>>) target(%arg11 : memref<512xf32, #tpu.memory_space<vmem>>) target_semaphore(%run_scoped3A : memref<!tpu.dma_semaphore, #tpu.memory_space<semaphore_mem>>)
      %dma_wait3A_101 = tpu.memref_slice %arg3[%mul3A_24] : memref<16384xf32, #tpu.memory_space<hbm>> -> memref<512xf32, #tpu.memory_space<hbm>>
      %dma_wait3A_102 = tpu.memref_slice %arg3[%mul3A_24] : memref<16384xf32, #tpu.memory_space<hbm>> -> memref<512xf32, #tpu.memory_space<hbm>>
      tpu.wait_dma2 semaphore(%run_scoped3A : memref<!tpu.dma_semaphore, #tpu.memory_space<semaphore_mem>>) src(%dma_wait3A_102 : memref<512xf32, #tpu.memory_space<hbm>>) dst(%arg11 : memref<512xf32, #tpu.memory_space<vmem>>)
      tpu.yield
    }) : () -> ()
    %scan3A = arith.constant 0 : i32
    %scan3A_25 = arith.constant 0 : i32
    %scan3A_26 = arith.constant 50 : i32
    %scan3A_27 = arith.addi %scan3A_25, %scan3A_26 : i32
    %scan3A_28 = arith.constant 1 : i32
    scf.for %scan3A_99 = %scan3A_25 to %scan3A_27 step %scan3A_28  : i32 {
      %mul3A_100 = arith.constant 2 : i32
      %mul3A_101 = arith.muli %mul3A_100, %scan3A_99 : i32
      %add3A_102 = arith.constant 1 : i32
      %add3A_103 = arith.addi %mul3A_101, %add3A_102 : i32
      %mul3A_104 = arith.constant 8000 : i32
      %mul3A_105 = arith.muli %add3A_103, %mul3A_104 : i32
      %dma_start3A_106 = arith.constant 8000 : i32
      %dma_start3A_107 = tpu.memref_slice %arg12[%dma_start3A_106] : memref<16000xi32, #tpu.memory_space<vmem>> -> memref<8000xi32, #tpu.memory_space<vmem>>
      %dma_start3A_108 = tpu.memref_slice %arg5[%mul3A_105] : memref<800000xi32, #tpu.memory_space<hbm>> -> memref<8000xi32, #tpu.memory_space<hbm>>
      %dma_start3A_109 = arith.constant 8000 : i32
      %dma_start3A_110 = tpu.memref_slice %arg12[%dma_start3A_109] : memref<16000xi32, #tpu.memory_space<vmem>> -> memref<8000xi32, #tpu.memory_space<vmem>>
      %dma_start3A_111 = tpu.memref_slice %arg5[%mul3A_105] : memref<800000xi32, #tpu.memory_space<hbm>> -> memref<8000xi32, #tpu.memory_space<hbm>>
      tpu.enqueue_dma source(%dma_start3A_111 : memref<8000xi32, #tpu.memory_space<hbm>>) target(%dma_start3A_110 : memref<8000xi32, #tpu.memory_space<vmem>>) target_semaphore(%arg15 : memref<!tpu.dma_semaphore, #tpu.memory_space<semaphore_mem>>)
      %mul3A_112 = arith.constant 4000 : i32
      %mul3A_113 = arith.muli %add3A_103, %mul3A_112 : i32
      %dma_start3A_114 = arith.constant 4000 : i32
      %dma_start3A_115 = tpu.memref_slice %arg13[%dma_start3A_114] : memref<8000xi32, #tpu.memory_space<vmem>> -> memref<4000xi32, #tpu.memory_space<vmem>>
      %dma_start3A_116 = tpu.memref_slice %arg6[%mul3A_113] : memref<400000xi32, #tpu.memory_space<hbm>> -> memref<4000xi32, #tpu.memory_space<hbm>>
      %dma_start3A_117 = arith.constant 4000 : i32
      %dma_start3A_118 = tpu.memref_slice %arg13[%dma_start3A_117] : memref<8000xi32, #tpu.memory_space<vmem>> -> memref<4000xi32, #tpu.memory_space<vmem>>
      %dma_start3A_119 = tpu.memref_slice %arg6[%mul3A_113] : memref<400000xi32, #tpu.memory_space<hbm>> -> memref<4000xi32, #tpu.memory_space<hbm>>
      tpu.enqueue_dma source(%dma_start3A_119 : memref<4000xi32, #tpu.memory_space<hbm>>) target(%dma_start3A_118 : memref<4000xi32, #tpu.memory_space<vmem>>) target_semaphore(%arg15 : memref<!tpu.dma_semaphore, #tpu.memory_space<semaphore_mem>>)
      %dma_wait3A_120 = arith.constant 0 : i32
      %dma_wait3A_121 = tpu.memref_slice %arg12[%dma_wait3A_120] : memref<16000xi32, #tpu.memory_space<vmem>> -> memref<8000xi32, #tpu.memory_space<vmem>>
      %dma_wait3A_122 = arith.constant 0 : i32
      %dma_wait3A_123 = tpu.memref_slice %arg5[%dma_wait3A_122] : memref<800000xi32, #tpu.memory_space<hbm>> -> memref<8000xi32, #tpu.memory_space<hbm>>
      %dma_wait3A_124 = arith.constant 0 : i32
      %dma_wait3A_125 = tpu.memref_slice %arg12[%dma_wait3A_124] : memref<16000xi32, #tpu.memory_space<vmem>> -> memref<8000xi32, #tpu.memory_space<vmem>>
      %dma_wait3A_126 = arith.constant 0 : i32
      %dma_wait3A_127 = tpu.memref_slice %arg5[%dma_wait3A_126] : memref<800000xi32, #tpu.memory_space<hbm>> -> memref<8000xi32, #tpu.memory_space<hbm>>
      tpu.wait_dma2 semaphore(%arg14 : memref<!tpu.dma_semaphore, #tpu.memory_space<semaphore_mem>>) src(%dma_wait3A_127 : memref<8000xi32, #tpu.memory_space<hbm>>) dst(%dma_wait3A_125 : memref<8000xi32, #tpu.memory_space<vmem>>)
      %dma_wait3A_128 = arith.constant 0 : i32
      %dma_wait3A_129 = tpu.memref_slice %arg13[%dma_wait3A_128] : memref<8000xi32, #tpu.memory_space<vmem>> -> memref<4000xi32, #tpu.memory_space<vmem>>
      %dma_wait3A_130 = arith.constant 0 : i32
      %dma_wait3A_131 = tpu.memref_slice %arg6[%dma_wait3A_130] : memref<400000xi32, #tpu.memory_space<hbm>> -> memref<4000xi32, #tpu.memory_space<hbm>>
      %dma_wait3A_132 = arith.constant 0 : i32
      %dma_wait3A_133 = tpu.memref_slice %arg13[%dma_wait3A_132] : memref<8000xi32, #tpu.memory_space<vmem>> -> memref<4000xi32, #tpu.memory_space<vmem>>
      %dma_wait3A_134 = arith.constant 0 : i32
      %dma_wait3A_135 = tpu.memref_slice %arg6[%dma_wait3A_134] : memref<400000xi32, #tpu.memory_space<hbm>> -> memref<4000xi32, #tpu.memory_space<hbm>>
      tpu.wait_dma2 semaphore(%arg14 : memref<!tpu.dma_semaphore, #tpu.memory_space<semaphore_mem>>) src(%dma_wait3A_135 : memref<4000xi32, #tpu.memory_space<hbm>>) dst(%dma_wait3A_133 : memref<4000xi32, #tpu.memory_space<vmem>>)
      %parallel_loop3A_136 = arith.constant 0 : i32
      %parallel_loop3A_137 = arith.constant 250 : i32
      %parallel_loop3A_138 = arith.constant 1 : i32
      scf.for %parallel_loop3A_177 = %parallel_loop3A_136 to %parallel_loop3A_137 step %parallel_loop3A_138  : i32 {
        %parallel_loop3A_178 = arith.constant 16 : i32
        %parallel_loop3A_179 = arith.muli %parallel_loop3A_177, %parallel_loop3A_178 : i32
        %parallel_loop3A_180 = arith.constant 0 : i32
        %parallel_loop3A_181 = arith.addi %parallel_loop3A_180, %parallel_loop3A_179 : i32
        %parallel_loop3A_182 = arith.index_cast %parallel_loop3A_181 : i32 to index
        %parallel_loop3A_183 = tpu.vector_load %arg12[%parallel_loop3A_182] {strides = array<i32>} : memref<16000xi32, #tpu.memory_space<vmem>>, vector<16xi32>,
        %parallel_loop3A_184 = arith.constant 4000 : i32
        %parallel_loop3A_185 = arith.addi %parallel_loop3A_184, %parallel_loop3A_179 : i32
        %parallel_loop3A_186 = arith.index_cast %parallel_loop3A_185 : i32 to index
        %parallel_loop3A_187 = tpu.vector_load %arg12[%parallel_loop3A_186] {strides = array<i32>} : memref<16000xi32, #tpu.memory_space<vmem>>, vector<16xi32>,
        %parallel_loop3A_188 = arith.constant 0 : i32
        %parallel_loop3A_189 = arith.addi %parallel_loop3A_188, %parallel_loop3A_179 : i32
        %parallel_loop3A_190 = arith.index_cast %parallel_loop3A_189 : i32 to index
        %parallel_loop3A_191 = tpu.vector_load %arg13[%parallel_loop3A_190] {strides = array<i32>} : memref<8000xi32, #tpu.memory_space<vmem>>, vector<16xi32>,
        %parallel_loop3A_192 = arith.constant 65535 : i32
        %parallel_loop3A_193 = vector.broadcast %parallel_loop3A_192 : i32 to vector<16xi32>
        %parallel_loop3A_194 = arith.andi %parallel_loop3A_183, %parallel_loop3A_193 : vector<16xi32>
        %parallel_loop3A_195 = tpu.vector_load_idx %arg9[%parallel_loop3A_194] : memref<50000xf32, #tpu.memory_space<vmem>>[vector<16xi32>], vector<16xf32>,
        %parallel_loop3A_196 = arith.constant 16 : i32
        %parallel_loop3A_197 = vector.broadcast %parallel_loop3A_196 : i32 to vector<16xi32>
        %parallel_loop3A_198 = arith.shrui %parallel_loop3A_183, %parallel_loop3A_197 : vector<16xi32>
        %parallel_loop3A_199 = tpu.vector_load_idx %arg11[%parallel_loop3A_198] : memref<512xf32, #tpu.memory_space<vmem>>[vector<16xi32>], vector<16xf32>,
        %parallel_loop3A_200 = arith.constant 65535 : i32
        %parallel_loop3A_201 = vector.broadcast %parallel_loop3A_200 : i32 to vector<16xi32>
        %parallel_loop3A_202 = arith.andi %parallel_loop3A_191, %parallel_loop3A_201 : vector<16xi32>
        %parallel_loop3A_203 = arith.mulf %parallel_loop3A_195, %parallel_loop3A_199 : vector<16xf32>
        tpu.vector_store_idx %arg10[%parallel_loop3A_202], %parallel_loop3A_203 {add = true} : memref<50000xf32, #tpu.memory_space<vmem>>[vector<16xi32>], vector<16xf32>,
        %parallel_loop3A_204 = arith.constant 65535 : i32
        %parallel_loop3A_205 = vector.broadcast %parallel_loop3A_204 : i32 to vector<16xi32>
        %parallel_loop3A_206 = arith.andi %parallel_loop3A_187, %parallel_loop3A_205 : vector<16xi32>
        %parallel_loop3A_207 = tpu.vector_load_idx %arg9[%parallel_loop3A_206] : memref<50000xf32, #tpu.memory_space<vmem>>[vector<16xi32>], vector<16xf32>,
        %parallel_loop3A_208 = arith.constant 16 : i32
        %parallel_loop3A_209 = vector.broadcast %parallel_loop3A_208 : i32 to vector<16xi32>
        %parallel_loop3A_210 = arith.shrui %parallel_loop3A_187, %parallel_loop3A_209 : vector<16xi32>
        %parallel_loop3A_211 = tpu.vector_load_idx %arg11[%parallel_loop3A_210] : memref<512xf32, #tpu.memory_space<vmem>>[vector<16xi32>], vector<16xf32>,
        %parallel_loop3A_212 = arith.constant 16 : i32
        %parallel_loop3A_213 = vector.broadcast %parallel_loop3A_212 : i32 to vector<16xi32>
        %parallel_loop3A_214 = arith.shrui %parallel_loop3A_191, %parallel_loop3A_213 : vector<16xi32>
        %parallel_loop3A_215 = arith.mulf %parallel_loop3A_207, %parallel_loop3A_211 : vector<16xf32>
        tpu.vector_store_idx %arg10[%parallel_loop3A_214], %parallel_loop3A_215 {add = true} : memref<50000xf32, #tpu.memory_space<vmem>>[vector<16xi32>], vector<16xf32>,
      } {sc.loop_unroll_factor = 10 : i64, sc.parallel_access}
      %add3A_139 = arith.constant 2 : i32
      %add3A_140 = arith.addi %mul3A_101, %add3A_139 : i32
      %min3A = arith.constant 98 : i32
      %min3A_141 = arith.minsi %add3A_140, %min3A : i32
      %mul3A_142 = arith.constant 8000 : i32
      %mul3A_143 = arith.muli %min3A_141, %mul3A_142 : i32
      %dma_start3A_144 = arith.constant 0 : i32
      %dma_start3A_145 = tpu.memref_slice %arg12[%dma_start3A_144] : memref<16000xi32, #tpu.memory_space<vmem>> -> memref<8000xi32, #tpu.memory_space<vmem>>
      %dma_start3A_146 = tpu.memref_slice %arg5[%mul3A_143] : memref<800000xi32, #tpu.memory_space<hbm>> -> memref<8000xi32, #tpu.memory_space<hbm>>
      %dma_start3A_147 = arith.constant 0 : i32
      %dma_start3A_148 = tpu.memref_slice %arg12[%dma_start3A_147] : memref<16000xi32, #tpu.memory_space<vmem>> -> memref<8000xi32, #tpu.memory_space<vmem>>
      %dma_start3A_149 = tpu.memref_slice %arg5[%mul3A_143] : memref<800000xi32, #tpu.memory_space<hbm>> -> memref<8000xi32, #tpu.memory_space<hbm>>
      tpu.enqueue_dma source(%dma_start3A_149 : memref<8000xi32, #tpu.memory_space<hbm>>) target(%dma_start3A_148 : memref<8000xi32, #tpu.memory_space<vmem>>) target_semaphore(%arg14 : memref<!tpu.dma_semaphore, #tpu.memory_space<semaphore_mem>>)
      %mul3A_150 = arith.constant 4000 : i32
      %mul3A_151 = arith.muli %min3A_141, %mul3A_150 : i32
      %dma_start3A_152 = arith.constant 0 : i32
      %dma_start3A_153 = tpu.memref_slice %arg13[%dma_start3A_152] : memref<8000xi32, #tpu.memory_space<vmem>> -> memref<4000xi32, #tpu.memory_space<vmem>>
      %dma_start3A_154 = tpu.memref_slice %arg6[%mul3A_151] : memref<400000xi32, #tpu.memory_space<hbm>> -> memref<4000xi32, #tpu.memory_space<hbm>>
      %dma_start3A_155 = arith.constant 0 : i32
      %dma_start3A_156 = tpu.memref_slice %arg13[%dma_start3A_155] : memref<8000xi32, #tpu.memory_space<vmem>> -> memref<4000xi32, #tpu.memory_space<vmem>>
      %dma_start3A_157 = tpu.memref_slice %arg6[%mul3A_151] : memref<400000xi32, #tpu.memory_space<hbm>> -> memref<4000xi32, #tpu.memory_space<hbm>>
      tpu.enqueue_dma source(%dma_start3A_157 : memref<4000xi32, #tpu.memory_space<hbm>>) target(%dma_start3A_156 : memref<4000xi32, #tpu.memory_space<vmem>>) target_semaphore(%arg14 : memref<!tpu.dma_semaphore, #tpu.memory_space<semaphore_mem>>)
      %dma_wait3A_158 = arith.constant 0 : i32
      %dma_wait3A_159 = tpu.memref_slice %arg12[%dma_wait3A_158] : memref<16000xi32, #tpu.memory_space<vmem>> -> memref<8000xi32, #tpu.memory_space<vmem>>
      %dma_wait3A_160 = arith.constant 0 : i32
      %dma_wait3A_161 = tpu.memref_slice %arg5[%dma_wait3A_160] : memref<800000xi32, #tpu.memory_space<hbm>> -> memref<8000xi32, #tpu.memory_space<hbm>>
      %dma_wait3A_162 = arith.constant 0 : i32
      %dma_wait3A_163 = tpu.memref_slice %arg12[%dma_wait3A_162] : memref<16000xi32, #tpu.memory_space<vmem>> -> memref<8000xi32, #tpu.memory_space<vmem>>
      %dma_wait3A_164 = arith.constant 0 : i32
      %dma_wait3A_165 = tpu.memref_slice %arg5[%dma_wait3A_164] : memref<800000xi32, #tpu.memory_space<hbm>> -> memref<8000xi32, #tpu.memory_space<hbm>>
      tpu.wait_dma2 semaphore(%arg15 : memref<!tpu.dma_semaphore, #tpu.memory_space<semaphore_mem>>) src(%dma_wait3A_165 : memref<8000xi32, #tpu.memory_space<hbm>>) dst(%dma_wait3A_163 : memref<8000xi32, #tpu.memory_space<vmem>>)
      %dma_wait3A_166 = arith.constant 0 : i32
      %dma_wait3A_167 = tpu.memref_slice %arg13[%dma_wait3A_166] : memref<8000xi32, #tpu.memory_space<vmem>> -> memref<4000xi32, #tpu.memory_space<vmem>>
      %dma_wait3A_168 = arith.constant 0 : i32
      %dma_wait3A_169 = tpu.memref_slice %arg6[%dma_wait3A_168] : memref<400000xi32, #tpu.memory_space<hbm>> -> memref<4000xi32, #tpu.memory_space<hbm>>
      %dma_wait3A_170 = arith.constant 0 : i32
      %dma_wait3A_171 = tpu.memref_slice %arg13[%dma_wait3A_170] : memref<8000xi32, #tpu.memory_space<vmem>> -> memref<4000xi32, #tpu.memory_space<vmem>>
      %dma_wait3A_172 = arith.constant 0 : i32
      %dma_wait3A_173 = tpu.memref_slice %arg6[%dma_wait3A_172] : memref<400000xi32, #tpu.memory_space<hbm>> -> memref<4000xi32, #tpu.memory_space<hbm>>
      tpu.wait_dma2 semaphore(%arg15 : memref<!tpu.dma_semaphore, #tpu.memory_space<semaphore_mem>>) src(%dma_wait3A_173 : memref<4000xi32, #tpu.memory_space<hbm>>) dst(%dma_wait3A_171 : memref<4000xi32, #tpu.memory_space<vmem>>)
      %parallel_loop3A_174 = arith.constant 0 : i32
      %parallel_loop3A_175 = arith.constant 250 : i32
      %parallel_loop3A_176 = arith.constant 1 : i32
      scf.for %parallel_loop3A_177 = %parallel_loop3A_174 to %parallel_loop3A_175 step %parallel_loop3A_176  : i32 {
        %parallel_loop3A_178 = arith.constant 16 : i32
        %parallel_loop3A_179 = arith.muli %parallel_loop3A_177, %parallel_loop3A_178 : i32
        %parallel_loop3A_180 = arith.constant 8000 : i32
        %parallel_loop3A_181 = arith.addi %parallel_loop3A_180, %parallel_loop3A_179 : i32
        %parallel_loop3A_182 = arith.index_cast %parallel_loop3A_181 : i32 to index
        %parallel_loop3A_183 = tpu.vector_load %arg12[%parallel_loop3A_182] {strides = array<i32>} : memref<16000xi32, #tpu.memory_space<vmem>>, vector<16xi32>,
        %parallel_loop3A_184 = arith.constant 12000 : i32
        %parallel_loop3A_185 = arith.addi %parallel_loop3A_184, %parallel_loop3A_179 : i32
        %parallel_loop3A_186 = arith.index_cast %parallel_loop3A_185 : i32 to index
        %parallel_loop3A_187 = tpu.vector_load %arg12[%parallel_loop3A_186] {strides = array<i32>} : memref<16000xi32, #tpu.memory_space<vmem>>, vector<16xi32>,
        %parallel_loop3A_188 = arith.constant 4000 : i32
        %parallel_loop3A_189 = arith.addi %parallel_loop3A_188, %parallel_loop3A_179 : i32
        %parallel_loop3A_190 = arith.index_cast %parallel_loop3A_189 : i32 to index
        %parallel_loop3A_191 = tpu.vector_load %arg13[%parallel_loop3A_190] {strides = array<i32>} : memref<8000xi32, #tpu.memory_space<vmem>>, vector<16xi32>,
        %parallel_loop3A_192 = arith.constant 65535 : i32
        %parallel_loop3A_193 = vector.broadcast %parallel_loop3A_192 : i32 to vector<16xi32>
        %parallel_loop3A_194 = arith.andi %parallel_loop3A_183, %parallel_loop3A_193 : vector<16xi32>
        %parallel_loop3A_195 = tpu.vector_load_idx %arg9[%parallel_loop3A_194] : memref<50000xf32, #tpu.memory_space<vmem>>[vector<16xi32>], vector<16xf32>,
        %parallel_loop3A_196 = arith.constant 16 : i32
        %parallel_loop3A_197 = vector.broadcast %parallel_loop3A_196 : i32 to vector<16xi32>
        %parallel_loop3A_198 = arith.shrui %parallel_loop3A_183, %parallel_loop3A_197 : vector<16xi32>
        %parallel_loop3A_199 = tpu.vector_load_idx %arg11[%parallel_loop3A_198] : memref<512xf32, #tpu.memory_space<vmem>>[vector<16xi32>], vector<16xf32>,
        %parallel_loop3A_200 = arith.constant 65535 : i32
        %parallel_loop3A_201 = vector.broadcast %parallel_loop3A_200 : i32 to vector<16xi32>
        %parallel_loop3A_202 = arith.andi %parallel_loop3A_191, %parallel_loop3A_201 : vector<16xi32>
        %parallel_loop3A_203 = arith.mulf %parallel_loop3A_195, %parallel_loop3A_199 : vector<16xf32>
        tpu.vector_store_idx %arg10[%parallel_loop3A_202], %parallel_loop3A_203 {add = true} : memref<50000xf32, #tpu.memory_space<vmem>>[vector<16xi32>], vector<16xf32>,
        %parallel_loop3A_204 = arith.constant 65535 : i32
        %parallel_loop3A_205 = vector.broadcast %parallel_loop3A_204 : i32 to vector<16xi32>
        %parallel_loop3A_206 = arith.andi %parallel_loop3A_187, %parallel_loop3A_205 : vector<16xi32>
        %parallel_loop3A_207 = tpu.vector_load_idx %arg9[%parallel_loop3A_206] : memref<50000xf32, #tpu.memory_space<vmem>>[vector<16xi32>], vector<16xf32>,
        %parallel_loop3A_208 = arith.constant 16 : i32
        %parallel_loop3A_209 = vector.broadcast %parallel_loop3A_208 : i32 to vector<16xi32>
        %parallel_loop3A_210 = arith.shrui %parallel_loop3A_187, %parallel_loop3A_209 : vector<16xi32>
        %parallel_loop3A_211 = tpu.vector_load_idx %arg11[%parallel_loop3A_210] : memref<512xf32, #tpu.memory_space<vmem>>[vector<16xi32>], vector<16xf32>,
        %parallel_loop3A_212 = arith.constant 16 : i32
        %parallel_loop3A_213 = vector.broadcast %parallel_loop3A_212 : i32 to vector<16xi32>
        %parallel_loop3A_214 = arith.shrui %parallel_loop3A_191, %parallel_loop3A_213 : vector<16xi32>
        %parallel_loop3A_215 = arith.mulf %parallel_loop3A_207, %parallel_loop3A_211 : vector<16xf32>
        tpu.vector_store_idx %arg10[%parallel_loop3A_214], %parallel_loop3A_215 {add = true} : memref<50000xf32, #tpu.memory_space<vmem>>[vector<16xi32>], vector<16xf32>,
      } {sc.loop_unroll_factor = 10 : i64, sc.parallel_access}
    }
    %scan3A_29 = arith.constant 50 : i32
    %dma_wait3A = arith.constant 0 : i32
    %dma_wait3A_30 = tpu.memref_slice %arg12[%dma_wait3A] : memref<16000xi32, #tpu.memory_space<vmem>> -> memref<8000xi32, #tpu.memory_space<vmem>>
    %dma_wait3A_31 = arith.constant 0 : i32
    %dma_wait3A_32 = tpu.memref_slice %arg5[%dma_wait3A_31] : memref<800000xi32, #tpu.memory_space<hbm>> -> memref<8000xi32, #tpu.memory_space<hbm>>
    %dma_wait3A_33 = arith.constant 0 : i32
    %dma_wait3A_34 = tpu.memref_slice %arg12[%dma_wait3A_33] : memref<16000xi32, #tpu.memory_space<vmem>> -> memref<8000xi32, #tpu.memory_space<vmem>>
    %dma_wait3A_35 = arith.constant 0 : i32
    %dma_wait3A_36 = tpu.memref_slice %arg5[%dma_wait3A_35] : memref<800000xi32, #tpu.memory_space<hbm>> -> memref<8000xi32, #tpu.memory_space<hbm>>
    tpu.wait_dma2 semaphore(%arg14 : memref<!tpu.dma_semaphore, #tpu.memory_space<semaphore_mem>>) src(%dma_wait3A_36 : memref<8000xi32, #tpu.memory_space<hbm>>) dst(%dma_wait3A_34 : memref<8000xi32, #tpu.memory_space<vmem>>)
    %dma_wait3A_37 = arith.constant 0 : i32
    %dma_wait3A_38 = tpu.memref_slice %arg13[%dma_wait3A_37] : memref<8000xi32, #tpu.memory_space<vmem>> -> memref<4000xi32, #tpu.memory_space<vmem>>
    %dma_wait3A_39 = arith.constant 0 : i32
    %dma_wait3A_40 = tpu.memref_slice %arg6[%dma_wait3A_39] : memref<400000xi32, #tpu.memory_space<hbm>> -> memref<4000xi32, #tpu.memory_space<hbm>>
    %dma_wait3A_41 = arith.constant 0 : i32
    %dma_wait3A_42 = tpu.memref_slice %arg13[%dma_wait3A_41] : memref<8000xi32, #tpu.memory_space<vmem>> -> memref<4000xi32, #tpu.memory_space<vmem>>
    %dma_wait3A_43 = arith.constant 0 : i32
    %dma_wait3A_44 = tpu.memref_slice %arg6[%dma_wait3A_43] : memref<400000xi32, #tpu.memory_space<hbm>> -> memref<4000xi32, #tpu.memory_space<hbm>>
    tpu.wait_dma2 semaphore(%arg14 : memref<!tpu.dma_semaphore, #tpu.memory_space<semaphore_mem>>) src(%dma_wait3A_44 : memref<4000xi32, #tpu.memory_space<hbm>>) dst(%dma_wait3A_42 : memref<4000xi32, #tpu.memory_space<vmem>>)
    %dma_start3A_45 = arith.constant 0 : i32
    %dma_start3A_46 = tpu.memref_slice %arg12[%dma_start3A_45] : memref<16000xi32, #tpu.memory_space<vmem>> -> memref<8000xi32, #tpu.memory_space<vmem>>
    %dma_start3A_47 = arith.constant 0 : i32
    %dma_start3A_48 = tpu.memref_slice %arg5[%dma_start3A_47] : memref<800000xi32, #tpu.memory_space<hbm>> -> memref<8000xi32, #tpu.memory_space<hbm>>
    %dma_start3A_49 = arith.constant 0 : i32
    %dma_start3A_50 = tpu.memref_slice %arg12[%dma_start3A_49] : memref<16000xi32, #tpu.memory_space<vmem>> -> memref<8000xi32, #tpu.memory_space<vmem>>
    %dma_start3A_51 = arith.constant 0 : i32
    %dma_start3A_52 = tpu.memref_slice %arg5[%dma_start3A_51] : memref<800000xi32, #tpu.memory_space<hbm>> -> memref<8000xi32, #tpu.memory_space<hbm>>
    tpu.enqueue_dma source(%dma_start3A_52 : memref<8000xi32, #tpu.memory_space<hbm>>) target(%dma_start3A_50 : memref<8000xi32, #tpu.memory_space<vmem>>) target_semaphore(%arg14 : memref<!tpu.dma_semaphore, #tpu.memory_space<semaphore_mem>>)
    %dma_start3A_53 = arith.constant 0 : i32
    %dma_start3A_54 = tpu.memref_slice %arg13[%dma_start3A_53] : memref<8000xi32, #tpu.memory_space<vmem>> -> memref<4000xi32, #tpu.memory_space<vmem>>
    %dma_start3A_55 = arith.constant 0 : i32
    %dma_start3A_56 = tpu.memref_slice %arg6[%dma_start3A_55] : memref<400000xi32, #tpu.memory_space<hbm>> -> memref<4000xi32, #tpu.memory_space<hbm>>
    %dma_start3A_57 = arith.constant 0 : i32
    %dma_start3A_58 = tpu.memref_slice %arg13[%dma_start3A_57] : memref<8000xi32, #tpu.memory_space<vmem>> -> memref<4000xi32, #tpu.memory_space<vmem>>
    %dma_start3A_59 = arith.constant 0 : i32
    %dma_start3A_60 = tpu.memref_slice %arg6[%dma_start3A_59] : memref<400000xi32, #tpu.memory_space<hbm>> -> memref<4000xi32, #tpu.memory_space<hbm>>
    tpu.enqueue_dma source(%dma_start3A_60 : memref<4000xi32, #tpu.memory_space<hbm>>) target(%dma_start3A_58 : memref<4000xi32, #tpu.memory_space<vmem>>) target_semaphore(%arg14 : memref<!tpu.dma_semaphore, #tpu.memory_space<semaphore_mem>>)
    %parallel_loop3A_61 = arith.constant 0 : i32
    %parallel_loop3A_62 = arith.constant 3125 : i32
    %parallel_loop3A_63 = arith.constant 1 : i32
    scf.for %parallel_loop3A_99 = %parallel_loop3A_61 to %parallel_loop3A_62 step %parallel_loop3A_63  : i32 {
      %parallel_loop3A_100 = arith.constant 16 : i32
      %parallel_loop3A_101 = arith.muli %parallel_loop3A_99, %parallel_loop3A_100 : i32
      %parallel_loop3A_102 = arith.index_cast %parallel_loop3A_101 : i32 to index
      %parallel_loop3A_103 = tpu.vector_load %arg10[%parallel_loop3A_102] {strides = array<i32>} : memref<50000xf32, #tpu.memory_space<vmem>>, vector<16xf32>,
      %parallel_loop3A_104 = arith.minimumf %parallel_loop3A_103, %broadcast_in_dim3A_3 : vector<16xf32>
      %parallel_loop3A_105 = arith.index_cast %parallel_loop3A_101 : i32 to index
      %parallel_loop3A_106 = tpu.vector_load %arg9[%parallel_loop3A_105] {strides = array<i32>} : memref<50000xf32, #tpu.memory_space<vmem>>, vector<16xf32>,
      tpu.vector_store %arg9[%parallel_loop3A_105], %parallel_loop3A_104 {strides = array<i32>} : memref<50000xf32, #tpu.memory_space<vmem>>, vector<16xf32>,
      %parallel_loop3A_107 = arith.index_cast %parallel_loop3A_101 : i32 to index
      %parallel_loop3A_108 = tpu.vector_load %arg10[%parallel_loop3A_107] {strides = array<i32>} : memref<50000xf32, #tpu.memory_space<vmem>>, vector<16xf32>,
      tpu.vector_store %arg10[%parallel_loop3A_107], %broadcast_in_dim3A_1 {strides = array<i32>} : memref<50000xf32, #tpu.memory_space<vmem>>, vector<16xf32>,
    } {sc.loop_unroll_factor = 5 : i64, sc.parallel_access}
    %mul3A_64 = arith.constant 50000 : i32
    %mul3A_65 = arith.muli %add3A, %mul3A_64 : i32
    %dma_start3A_66 = tpu.memref_slice %arg7[%mul3A_65] : memref<1600000xf32, #tpu.memory_space<hbm>> -> memref<50000xf32, #tpu.memory_space<hbm>>
    %dma_start3A_67 = tpu.memref_slice %arg7[%mul3A_65] : memref<1600000xf32, #tpu.memory_space<hbm>> -> memref<50000xf32, #tpu.memory_space<hbm>>
    tpu.enqueue_dma source(%arg9 : memref<50000xf32, #tpu.memory_space<vmem>>) target(%dma_start3A_67 : memref<50000xf32, #tpu.memory_space<hbm>>) target_semaphore(%arg16 : memref<!tpu.dma_semaphore, #tpu.memory_space<semaphore_mem>>)
    %mul3A_68 = arith.constant 512 : i32
    %mul3A_69 = arith.muli %add3A, %mul3A_68 : i32
    "tpu.region"() ({
      %run_scoped3A = tpu.sem_alloc : memref<!tpu.dma_semaphore, #tpu.memory_space<semaphore_mem>>
      %dma_start3A_99 = tpu.memref_slice %arg4[%mul3A_69] : memref<16384xf32, #tpu.memory_space<hbm>> -> memref<512xf32, #tpu.memory_space<hbm>>
      %dma_start3A_100 = tpu.memref_slice %arg4[%mul3A_69] : memref<16384xf32, #tpu.memory_space<hbm>> -> memref<512xf32, #tpu.memory_space<hbm>>
      tpu.enqueue_dma source(%dma_start3A_100 : memref<512xf32, #tpu.memory_space<hbm>>) target(%arg11 : memref<512xf32, #tpu.memory_space<vmem>>) target_semaphore(%run_scoped3A : memref<!tpu.dma_semaphore, #tpu.memory_space<semaphore_mem>>)
      %dma_wait3A_101 = tpu.memref_slice %arg4[%mul3A_69] : memref<16384xf32, #tpu.memory_space<hbm>> -> memref<512xf32, #tpu.memory_space<hbm>>
      %dma_wait3A_102 = tpu.memref_slice %arg4[%mul3A_69] : memref<16384xf32, #tpu.memory_space<hbm>> -> memref<512xf32, #tpu.memory_space<hbm>>
      tpu.wait_dma2 semaphore(%run_scoped3A : memref<!tpu.dma_semaphore, #tpu.memory_space<semaphore_mem>>) src(%dma_wait3A_102 : memref<512xf32, #tpu.memory_space<hbm>>) dst(%arg11 : memref<512xf32, #tpu.memory_space<vmem>>)
      tpu.yield
    }) : () -> ()
    %scan3A_70 = arith.constant 0 : i32
    %scan3A_71 = arith.constant 0 : i32
    %scan3A_72 = arith.constant 50 : i32
    %scan3A_73 = arith.addi %scan3A_71, %scan3A_72 : i32
    %scan3A_74 = arith.constant 1 : i32
    scf.for %scan3A_99 = %scan3A_71 to %scan3A_73 step %scan3A_74  : i32 {
      %mul3A_100 = arith.constant 2 : i32
      %mul3A_101 = arith.muli %mul3A_100, %scan3A_99 : i32
      %add3A_102 = arith.constant 1 : i32
      %add3A_103 = arith.addi %mul3A_101, %add3A_102 : i32
      %mul3A_104 = arith.constant 8000 : i32
      %mul3A_105 = arith.muli %add3A_103, %mul3A_104 : i32
      %dma_start3A_106 = arith.constant 8000 : i32
      %dma_start3A_107 = tpu.memref_slice %arg12[%dma_start3A_106] : memref<16000xi32, #tpu.memory_space<vmem>> -> memref<8000xi32, #tpu.memory_space<vmem>>
      %dma_start3A_108 = tpu.memref_slice %arg5[%mul3A_105] : memref<800000xi32, #tpu.memory_space<hbm>> -> memref<8000xi32, #tpu.memory_space<hbm>>
      %dma_start3A_109 = arith.constant 8000 : i32
      %dma_start3A_110 = tpu.memref_slice %arg12[%dma_start3A_109] : memref<16000xi32, #tpu.memory_space<vmem>> -> memref<8000xi32, #tpu.memory_space<vmem>>
      %dma_start3A_111 = tpu.memref_slice %arg5[%mul3A_105] : memref<800000xi32, #tpu.memory_space<hbm>> -> memref<8000xi32, #tpu.memory_space<hbm>>
      tpu.enqueue_dma source(%dma_start3A_111 : memref<8000xi32, #tpu.memory_space<hbm>>) target(%dma_start3A_110 : memref<8000xi32, #tpu.memory_space<vmem>>) target_semaphore(%arg15 : memref<!tpu.dma_semaphore, #tpu.memory_space<semaphore_mem>>)
      %mul3A_112 = arith.constant 4000 : i32
      %mul3A_113 = arith.muli %add3A_103, %mul3A_112 : i32
      %dma_start3A_114 = arith.constant 4000 : i32
      %dma_start3A_115 = tpu.memref_slice %arg13[%dma_start3A_114] : memref<8000xi32, #tpu.memory_space<vmem>> -> memref<4000xi32, #tpu.memory_space<vmem>>
      %dma_start3A_116 = tpu.memref_slice %arg6[%mul3A_113] : memref<400000xi32, #tpu.memory_space<hbm>> -> memref<4000xi32, #tpu.memory_space<hbm>>
      %dma_start3A_117 = arith.constant 4000 : i32
      %dma_start3A_118 = tpu.memref_slice %arg13[%dma_start3A_117] : memref<8000xi32, #tpu.memory_space<vmem>> -> memref<4000xi32, #tpu.memory_space<vmem>>
      %dma_start3A_119 = tpu.memref_slice %arg6[%mul3A_113] : memref<400000xi32, #tpu.memory_space<hbm>> -> memref<4000xi32, #tpu.memory_space<hbm>>
      tpu.enqueue_dma source(%dma_start3A_119 : memref<4000xi32, #tpu.memory_space<hbm>>) target(%dma_start3A_118 : memref<4000xi32, #tpu.memory_space<vmem>>) target_semaphore(%arg15 : memref<!tpu.dma_semaphore, #tpu.memory_space<semaphore_mem>>)
      %dma_wait3A_120 = arith.constant 0 : i32
      %dma_wait3A_121 = tpu.memref_slice %arg12[%dma_wait3A_120] : memref<16000xi32, #tpu.memory_space<vmem>> -> memref<8000xi32, #tpu.memory_space<vmem>>
      %dma_wait3A_122 = arith.constant 0 : i32
      %dma_wait3A_123 = tpu.memref_slice %arg5[%dma_wait3A_122] : memref<800000xi32, #tpu.memory_space<hbm>> -> memref<8000xi32, #tpu.memory_space<hbm>>
      %dma_wait3A_124 = arith.constant 0 : i32
      %dma_wait3A_125 = tpu.memref_slice %arg12[%dma_wait3A_124] : memref<16000xi32, #tpu.memory_space<vmem>> -> memref<8000xi32, #tpu.memory_space<vmem>>
      %dma_wait3A_126 = arith.constant 0 : i32
      %dma_wait3A_127 = tpu.memref_slice %arg5[%dma_wait3A_126] : memref<800000xi32, #tpu.memory_space<hbm>> -> memref<8000xi32, #tpu.memory_space<hbm>>
      tpu.wait_dma2 semaphore(%arg14 : memref<!tpu.dma_semaphore, #tpu.memory_space<semaphore_mem>>) src(%dma_wait3A_127 : memref<8000xi32, #tpu.memory_space<hbm>>) dst(%dma_wait3A_125 : memref<8000xi32, #tpu.memory_space<vmem>>)
      %dma_wait3A_128 = arith.constant 0 : i32
      %dma_wait3A_129 = tpu.memref_slice %arg13[%dma_wait3A_128] : memref<8000xi32, #tpu.memory_space<vmem>> -> memref<4000xi32, #tpu.memory_space<vmem>>
      %dma_wait3A_130 = arith.constant 0 : i32
      %dma_wait3A_131 = tpu.memref_slice %arg6[%dma_wait3A_130] : memref<400000xi32, #tpu.memory_space<hbm>> -> memref<4000xi32, #tpu.memory_space<hbm>>
      %dma_wait3A_132 = arith.constant 0 : i32
      %dma_wait3A_133 = tpu.memref_slice %arg13[%dma_wait3A_132] : memref<8000xi32, #tpu.memory_space<vmem>> -> memref<4000xi32, #tpu.memory_space<vmem>>
      %dma_wait3A_134 = arith.constant 0 : i32
      %dma_wait3A_135 = tpu.memref_slice %arg6[%dma_wait3A_134] : memref<400000xi32, #tpu.memory_space<hbm>> -> memref<4000xi32, #tpu.memory_space<hbm>>
      tpu.wait_dma2 semaphore(%arg14 : memref<!tpu.dma_semaphore, #tpu.memory_space<semaphore_mem>>) src(%dma_wait3A_135 : memref<4000xi32, #tpu.memory_space<hbm>>) dst(%dma_wait3A_133 : memref<4000xi32, #tpu.memory_space<vmem>>)
      %parallel_loop3A_136 = arith.constant 0 : i32
      %parallel_loop3A_137 = arith.constant 250 : i32
      %parallel_loop3A_138 = arith.constant 1 : i32
      scf.for %parallel_loop3A_177 = %parallel_loop3A_136 to %parallel_loop3A_137 step %parallel_loop3A_138  : i32 {
        %parallel_loop3A_178 = arith.constant 16 : i32
        %parallel_loop3A_179 = arith.muli %parallel_loop3A_177, %parallel_loop3A_178 : i32
        %parallel_loop3A_180 = arith.constant 0 : i32
        %parallel_loop3A_181 = arith.addi %parallel_loop3A_180, %parallel_loop3A_179 : i32
        %parallel_loop3A_182 = arith.index_cast %parallel_loop3A_181 : i32 to index
        %parallel_loop3A_183 = tpu.vector_load %arg12[%parallel_loop3A_182] {strides = array<i32>} : memref<16000xi32, #tpu.memory_space<vmem>>, vector<16xi32>,
        %parallel_loop3A_184 = arith.constant 4000 : i32
        %parallel_loop3A_185 = arith.addi %parallel_loop3A_184, %parallel_loop3A_179 : i32
        %parallel_loop3A_186 = arith.index_cast %parallel_loop3A_185 : i32 to index
        %parallel_loop3A_187 = tpu.vector_load %arg12[%parallel_loop3A_186] {strides = array<i32>} : memref<16000xi32, #tpu.memory_space<vmem>>, vector<16xi32>,
        %parallel_loop3A_188 = arith.constant 0 : i32
        %parallel_loop3A_189 = arith.addi %parallel_loop3A_188, %parallel_loop3A_179 : i32
        %parallel_loop3A_190 = arith.index_cast %parallel_loop3A_189 : i32 to index
        %parallel_loop3A_191 = tpu.vector_load %arg13[%parallel_loop3A_190] {strides = array<i32>} : memref<8000xi32, #tpu.memory_space<vmem>>, vector<16xi32>,
        %parallel_loop3A_192 = arith.constant 65535 : i32
        %parallel_loop3A_193 = vector.broadcast %parallel_loop3A_192 : i32 to vector<16xi32>
        %parallel_loop3A_194 = arith.andi %parallel_loop3A_183, %parallel_loop3A_193 : vector<16xi32>
        %parallel_loop3A_195 = tpu.vector_load_idx %arg9[%parallel_loop3A_194] : memref<50000xf32, #tpu.memory_space<vmem>>[vector<16xi32>], vector<16xf32>,
        %parallel_loop3A_196 = arith.constant 16 : i32
        %parallel_loop3A_197 = vector.broadcast %parallel_loop3A_196 : i32 to vector<16xi32>
        %parallel_loop3A_198 = arith.shrui %parallel_loop3A_183, %parallel_loop3A_197 : vector<16xi32>
        %parallel_loop3A_199 = tpu.vector_load_idx %arg11[%parallel_loop3A_198] : memref<512xf32, #tpu.memory_space<vmem>>[vector<16xi32>], vector<16xf32>,
        %parallel_loop3A_200 = arith.constant 65535 : i32
        %parallel_loop3A_201 = vector.broadcast %parallel_loop3A_200 : i32 to vector<16xi32>
        %parallel_loop3A_202 = arith.andi %parallel_loop3A_191, %parallel_loop3A_201 : vector<16xi32>
        %parallel_loop3A_203 = arith.mulf %parallel_loop3A_195, %parallel_loop3A_199 : vector<16xf32>
        tpu.vector_store_idx %arg10[%parallel_loop3A_202], %parallel_loop3A_203 {add = true} : memref<50000xf32, #tpu.memory_space<vmem>>[vector<16xi32>], vector<16xf32>,
        %parallel_loop3A_204 = arith.constant 65535 : i32
        %parallel_loop3A_205 = vector.broadcast %parallel_loop3A_204 : i32 to vector<16xi32>
        %parallel_loop3A_206 = arith.andi %parallel_loop3A_187, %parallel_loop3A_205 : vector<16xi32>
        %parallel_loop3A_207 = tpu.vector_load_idx %arg9[%parallel_loop3A_206] : memref<50000xf32, #tpu.memory_space<vmem>>[vector<16xi32>], vector<16xf32>,
        %parallel_loop3A_208 = arith.constant 16 : i32
        %parallel_loop3A_209 = vector.broadcast %parallel_loop3A_208 : i32 to vector<16xi32>
        %parallel_loop3A_210 = arith.shrui %parallel_loop3A_187, %parallel_loop3A_209 : vector<16xi32>
        %parallel_loop3A_211 = tpu.vector_load_idx %arg11[%parallel_loop3A_210] : memref<512xf32, #tpu.memory_space<vmem>>[vector<16xi32>], vector<16xf32>,
        %parallel_loop3A_212 = arith.constant 16 : i32
        %parallel_loop3A_213 = vector.broadcast %parallel_loop3A_212 : i32 to vector<16xi32>
        %parallel_loop3A_214 = arith.shrui %parallel_loop3A_191, %parallel_loop3A_213 : vector<16xi32>
        %parallel_loop3A_215 = arith.mulf %parallel_loop3A_207, %parallel_loop3A_211 : vector<16xf32>
        tpu.vector_store_idx %arg10[%parallel_loop3A_214], %parallel_loop3A_215 {add = true} : memref<50000xf32, #tpu.memory_space<vmem>>[vector<16xi32>], vector<16xf32>,
      } {sc.loop_unroll_factor = 10 : i64, sc.parallel_access}
      %add3A_139 = arith.constant 2 : i32
      %add3A_140 = arith.addi %mul3A_101, %add3A_139 : i32
      %min3A = arith.constant 98 : i32
      %min3A_141 = arith.minsi %add3A_140, %min3A : i32
      %mul3A_142 = arith.constant 8000 : i32
      %mul3A_143 = arith.muli %min3A_141, %mul3A_142 : i32
      %dma_start3A_144 = arith.constant 0 : i32
      %dma_start3A_145 = tpu.memref_slice %arg12[%dma_start3A_144] : memref<16000xi32, #tpu.memory_space<vmem>> -> memref<8000xi32, #tpu.memory_space<vmem>>
      %dma_start3A_146 = tpu.memref_slice %arg5[%mul3A_143] : memref<800000xi32, #tpu.memory_space<hbm>> -> memref<8000xi32, #tpu.memory_space<hbm>>
      %dma_start3A_147 = arith.constant 0 : i32
      %dma_start3A_148 = tpu.memref_slice %arg12[%dma_start3A_147] : memref<16000xi32, #tpu.memory_space<vmem>> -> memref<8000xi32, #tpu.memory_space<vmem>>
      %dma_start3A_149 = tpu.memref_slice %arg5[%mul3A_143] : memref<800000xi32, #tpu.memory_space<hbm>> -> memref<8000xi32, #tpu.memory_space<hbm>>
      tpu.enqueue_dma source(%dma_start3A_149 : memref<8000xi32, #tpu.memory_space<hbm>>) target(%dma_start3A_148 : memref<8000xi32, #tpu.memory_space<vmem>>) target_semaphore(%arg14 : memref<!tpu.dma_semaphore, #tpu.memory_space<semaphore_mem>>)
      %mul3A_150 = arith.constant 4000 : i32
      %mul3A_151 = arith.muli %min3A_141, %mul3A_150 : i32
      %dma_start3A_152 = arith.constant 0 : i32
      %dma_start3A_153 = tpu.memref_slice %arg13[%dma_start3A_152] : memref<8000xi32, #tpu.memory_space<vmem>> -> memref<4000xi32, #tpu.memory_space<vmem>>
      %dma_start3A_154 = tpu.memref_slice %arg6[%mul3A_151] : memref<400000xi32, #tpu.memory_space<hbm>> -> memref<4000xi32, #tpu.memory_space<hbm>>
      %dma_start3A_155 = arith.constant 0 : i32
      %dma_start3A_156 = tpu.memref_slice %arg13[%dma_start3A_155] : memref<8000xi32, #tpu.memory_space<vmem>> -> memref<4000xi32, #tpu.memory_space<vmem>>
      %dma_start3A_157 = tpu.memref_slice %arg6[%mul3A_151] : memref<400000xi32, #tpu.memory_space<hbm>> -> memref<4000xi32, #tpu.memory_space<hbm>>
      tpu.enqueue_dma source(%dma_start3A_157 : memref<4000xi32, #tpu.memory_space<hbm>>) target(%dma_start3A_156 : memref<4000xi32, #tpu.memory_space<vmem>>) target_semaphore(%arg14 : memref<!tpu.dma_semaphore, #tpu.memory_space<semaphore_mem>>)
      %dma_wait3A_158 = arith.constant 0 : i32
      %dma_wait3A_159 = tpu.memref_slice %arg12[%dma_wait3A_158] : memref<16000xi32, #tpu.memory_space<vmem>> -> memref<8000xi32, #tpu.memory_space<vmem>>
      %dma_wait3A_160 = arith.constant 0 : i32
      %dma_wait3A_161 = tpu.memref_slice %arg5[%dma_wait3A_160] : memref<800000xi32, #tpu.memory_space<hbm>> -> memref<8000xi32, #tpu.memory_space<hbm>>
      %dma_wait3A_162 = arith.constant 0 : i32
      %dma_wait3A_163 = tpu.memref_slice %arg12[%dma_wait3A_162] : memref<16000xi32, #tpu.memory_space<vmem>> -> memref<8000xi32, #tpu.memory_space<vmem>>
      %dma_wait3A_164 = arith.constant 0 : i32
      %dma_wait3A_165 = tpu.memref_slice %arg5[%dma_wait3A_164] : memref<800000xi32, #tpu.memory_space<hbm>> -> memref<8000xi32, #tpu.memory_space<hbm>>
      tpu.wait_dma2 semaphore(%arg15 : memref<!tpu.dma_semaphore, #tpu.memory_space<semaphore_mem>>) src(%dma_wait3A_165 : memref<8000xi32, #tpu.memory_space<hbm>>) dst(%dma_wait3A_163 : memref<8000xi32, #tpu.memory_space<vmem>>)
      %dma_wait3A_166 = arith.constant 0 : i32
      %dma_wait3A_167 = tpu.memref_slice %arg13[%dma_wait3A_166] : memref<8000xi32, #tpu.memory_space<vmem>> -> memref<4000xi32, #tpu.memory_space<vmem>>
      %dma_wait3A_168 = arith.constant 0 : i32
      %dma_wait3A_169 = tpu.memref_slice %arg6[%dma_wait3A_168] : memref<400000xi32, #tpu.memory_space<hbm>> -> memref<4000xi32, #tpu.memory_space<hbm>>
      %dma_wait3A_170 = arith.constant 0 : i32
      %dma_wait3A_171 = tpu.memref_slice %arg13[%dma_wait3A_170] : memref<8000xi32, #tpu.memory_space<vmem>> -> memref<4000xi32, #tpu.memory_space<vmem>>
      %dma_wait3A_172 = arith.constant 0 : i32
      %dma_wait3A_173 = tpu.memref_slice %arg6[%dma_wait3A_172] : memref<400000xi32, #tpu.memory_space<hbm>> -> memref<4000xi32, #tpu.memory_space<hbm>>
      tpu.wait_dma2 semaphore(%arg15 : memref<!tpu.dma_semaphore, #tpu.memory_space<semaphore_mem>>) src(%dma_wait3A_173 : memref<4000xi32, #tpu.memory_space<hbm>>) dst(%dma_wait3A_171 : memref<4000xi32, #tpu.memory_space<vmem>>)
      %parallel_loop3A_174 = arith.constant 0 : i32
      %parallel_loop3A_175 = arith.constant 250 : i32
      %parallel_loop3A_176 = arith.constant 1 : i32
      scf.for %parallel_loop3A_177 = %parallel_loop3A_174 to %parallel_loop3A_175 step %parallel_loop3A_176  : i32 {
        %parallel_loop3A_178 = arith.constant 16 : i32
        %parallel_loop3A_179 = arith.muli %parallel_loop3A_177, %parallel_loop3A_178 : i32
        %parallel_loop3A_180 = arith.constant 8000 : i32
        %parallel_loop3A_181 = arith.addi %parallel_loop3A_180, %parallel_loop3A_179 : i32
        %parallel_loop3A_182 = arith.index_cast %parallel_loop3A_181 : i32 to index
        %parallel_loop3A_183 = tpu.vector_load %arg12[%parallel_loop3A_182] {strides = array<i32>} : memref<16000xi32, #tpu.memory_space<vmem>>, vector<16xi32>,
        %parallel_loop3A_184 = arith.constant 12000 : i32
        %parallel_loop3A_185 = arith.addi %parallel_loop3A_184, %parallel_loop3A_179 : i32
        %parallel_loop3A_186 = arith.index_cast %parallel_loop3A_185 : i32 to index
        %parallel_loop3A_187 = tpu.vector_load %arg12[%parallel_loop3A_186] {strides = array<i32>} : memref<16000xi32, #tpu.memory_space<vmem>>, vector<16xi32>,
        %parallel_loop3A_188 = arith.constant 4000 : i32
        %parallel_loop3A_189 = arith.addi %parallel_loop3A_188, %parallel_loop3A_179 : i32
        %parallel_loop3A_190 = arith.index_cast %parallel_loop3A_189 : i32 to index
        %parallel_loop3A_191 = tpu.vector_load %arg13[%parallel_loop3A_190] {strides = array<i32>} : memref<8000xi32, #tpu.memory_space<vmem>>, vector<16xi32>,
        %parallel_loop3A_192 = arith.constant 65535 : i32
        %parallel_loop3A_193 = vector.broadcast %parallel_loop3A_192 : i32 to vector<16xi32>
        %parallel_loop3A_194 = arith.andi %parallel_loop3A_183, %parallel_loop3A_193 : vector<16xi32>
        %parallel_loop3A_195 = tpu.vector_load_idx %arg9[%parallel_loop3A_194] : memref<50000xf32, #tpu.memory_space<vmem>>[vector<16xi32>], vector<16xf32>,
        %parallel_loop3A_196 = arith.constant 16 : i32
        %parallel_loop3A_197 = vector.broadcast %parallel_loop3A_196 : i32 to vector<16xi32>
        %parallel_loop3A_198 = arith.shrui %parallel_loop3A_183, %parallel_loop3A_197 : vector<16xi32>
        %parallel_loop3A_199 = tpu.vector_load_idx %arg11[%parallel_loop3A_198] : memref<512xf32, #tpu.memory_space<vmem>>[vector<16xi32>], vector<16xf32>,
        %parallel_loop3A_200 = arith.constant 65535 : i32
        %parallel_loop3A_201 = vector.broadcast %parallel_loop3A_200 : i32 to vector<16xi32>
        %parallel_loop3A_202 = arith.andi %parallel_loop3A_191, %parallel_loop3A_201 : vector<16xi32>
        %parallel_loop3A_203 = arith.mulf %parallel_loop3A_195, %parallel_loop3A_199 : vector<16xf32>
        tpu.vector_store_idx %arg10[%parallel_loop3A_202], %parallel_loop3A_203 {add = true} : memref<50000xf32, #tpu.memory_space<vmem>>[vector<16xi32>], vector<16xf32>,
        %parallel_loop3A_204 = arith.constant 65535 : i32
        %parallel_loop3A_205 = vector.broadcast %parallel_loop3A_204 : i32 to vector<16xi32>
        %parallel_loop3A_206 = arith.andi %parallel_loop3A_187, %parallel_loop3A_205 : vector<16xi32>
        %parallel_loop3A_207 = tpu.vector_load_idx %arg9[%parallel_loop3A_206] : memref<50000xf32, #tpu.memory_space<vmem>>[vector<16xi32>], vector<16xf32>,
        %parallel_loop3A_208 = arith.constant 16 : i32
        %parallel_loop3A_209 = vector.broadcast %parallel_loop3A_208 : i32 to vector<16xi32>
        %parallel_loop3A_210 = arith.shrui %parallel_loop3A_187, %parallel_loop3A_209 : vector<16xi32>
        %parallel_loop3A_211 = tpu.vector_load_idx %arg11[%parallel_loop3A_210] : memref<512xf32, #tpu.memory_space<vmem>>[vector<16xi32>], vector<16xf32>,
        %parallel_loop3A_212 = arith.constant 16 : i32
        %parallel_loop3A_213 = vector.broadcast %parallel_loop3A_212 : i32 to vector<16xi32>
        %parallel_loop3A_214 = arith.shrui %parallel_loop3A_191, %parallel_loop3A_213 : vector<16xi32>
        %parallel_loop3A_215 = arith.mulf %parallel_loop3A_207, %parallel_loop3A_211 : vector<16xf32>
        tpu.vector_store_idx %arg10[%parallel_loop3A_214], %parallel_loop3A_215 {add = true} : memref<50000xf32, #tpu.memory_space<vmem>>[vector<16xi32>], vector<16xf32>,
      } {sc.loop_unroll_factor = 10 : i64, sc.parallel_access}
    }
    %scan3A_75 = arith.constant 50 : i32
    %dma_wait3A_76 = arith.constant 0 : i32
    %dma_wait3A_77 = tpu.memref_slice %arg12[%dma_wait3A_76] : memref<16000xi32, #tpu.memory_space<vmem>> -> memref<8000xi32, #tpu.memory_space<vmem>>
    %dma_wait3A_78 = arith.constant 0 : i32
    %dma_wait3A_79 = tpu.memref_slice %arg5[%dma_wait3A_78] : memref<800000xi32, #tpu.memory_space<hbm>> -> memref<8000xi32, #tpu.memory_space<hbm>>
    %dma_wait3A_80 = arith.constant 0 : i32
    %dma_wait3A_81 = tpu.memref_slice %arg12[%dma_wait3A_80] : memref<16000xi32, #tpu.memory_space<vmem>> -> memref<8000xi32, #tpu.memory_space<vmem>>
    %dma_wait3A_82 = arith.constant 0 : i32
    %dma_wait3A_83 = tpu.memref_slice %arg5[%dma_wait3A_82] : memref<800000xi32, #tpu.memory_space<hbm>> -> memref<8000xi32, #tpu.memory_space<hbm>>
    tpu.wait_dma2 semaphore(%arg14 : memref<!tpu.dma_semaphore, #tpu.memory_space<semaphore_mem>>) src(%dma_wait3A_83 : memref<8000xi32, #tpu.memory_space<hbm>>) dst(%dma_wait3A_81 : memref<8000xi32, #tpu.memory_space<vmem>>)
    %dma_wait3A_84 = arith.constant 0 : i32
    %dma_wait3A_85 = tpu.memref_slice %arg13[%dma_wait3A_84] : memref<8000xi32, #tpu.memory_space<vmem>> -> memref<4000xi32, #tpu.memory_space<vmem>>
    %dma_wait3A_86 = arith.constant 0 : i32
    %dma_wait3A_87 = tpu.memref_slice %arg6[%dma_wait3A_86] : memref<400000xi32, #tpu.memory_space<hbm>> -> memref<4000xi32, #tpu.memory_space<hbm>>
    %dma_wait3A_88 = arith.constant 0 : i32
    %dma_wait3A_89 = tpu.memref_slice %arg13[%dma_wait3A_88] : memref<8000xi32, #tpu.memory_space<vmem>> -> memref<4000xi32, #tpu.memory_space<vmem>>
    %dma_wait3A_90 = arith.constant 0 : i32
    %dma_wait3A_91 = tpu.memref_slice %arg6[%dma_wait3A_90] : memref<400000xi32, #tpu.memory_space<hbm>> -> memref<4000xi32, #tpu.memory_space<hbm>>
    tpu.wait_dma2 semaphore(%arg14 : memref<!tpu.dma_semaphore, #tpu.memory_space<semaphore_mem>>) src(%dma_wait3A_91 : memref<4000xi32, #tpu.memory_space<hbm>>) dst(%dma_wait3A_89 : memref<4000xi32, #tpu.memory_space<vmem>>)
    %dma_wait3A_92 = tpu.memref_slice %arg7[%mul3A_65] : memref<1600000xf32, #tpu.memory_space<hbm>> -> memref<50000xf32, #tpu.memory_space<hbm>>
    %dma_wait3A_93 = tpu.memref_slice %arg7[%mul3A_65] : memref<1600000xf32, #tpu.memory_space<hbm>> -> memref<50000xf32, #tpu.memory_space<hbm>>
    tpu.wait_dma2 semaphore(%arg16 : memref<!tpu.dma_semaphore, #tpu.memory_space<semaphore_mem>>) src(%arg9 : memref<50000xf32, #tpu.memory_space<vmem>>) dst(%dma_wait3A_93 : memref<50000xf32, #tpu.memory_space<hbm>>)
    %parallel_loop3A_94 = arith.constant 0 : i32
    %parallel_loop3A_95 = arith.constant 3125 : i32
    %parallel_loop3A_96 = arith.constant 1 : i32
    scf.for %parallel_loop3A_99 = %parallel_loop3A_94 to %parallel_loop3A_95 step %parallel_loop3A_96  : i32 {
      %parallel_loop3A_100 = arith.constant 16 : i32
      %parallel_loop3A_101 = arith.muli %parallel_loop3A_99, %parallel_loop3A_100 : i32
      %parallel_loop3A_102 = arith.index_cast %parallel_loop3A_101 : i32 to index
      %parallel_loop3A_103 = tpu.vector_load %arg10[%parallel_loop3A_102] {strides = array<i32>} : memref<50000xf32, #tpu.memory_space<vmem>>, vector<16xf32>,
      %parallel_loop3A_104 = arith.minimumf %parallel_loop3A_103, %broadcast_in_dim3A_3 : vector<16xf32>
      %parallel_loop3A_105 = arith.index_cast %parallel_loop3A_101 : i32 to index
      %parallel_loop3A_106 = tpu.vector_load %arg9[%parallel_loop3A_105] {strides = array<i32>} : memref<50000xf32, #tpu.memory_space<vmem>>, vector<16xf32>,
      tpu.vector_store %arg9[%parallel_loop3A_105], %parallel_loop3A_104 {strides = array<i32>} : memref<50000xf32, #tpu.memory_space<vmem>>, vector<16xf32>,
    } {sc.loop_unroll_factor = 5 : i64, sc.parallel_access}
    %mul3A_97 = arith.constant 50000 : i32
    %mul3A_98 = arith.muli %add3A, %mul3A_97 : i32
    "tpu.region"() ({
      %run_scoped3A = tpu.sem_alloc : memref<!tpu.dma_semaphore, #tpu.memory_space<semaphore_mem>>
      %dma_start3A_99 = tpu.memref_slice %arg8[%mul3A_98] : memref<1600000xf32, #tpu.memory_space<hbm>> -> memref<50000xf32, #tpu.memory_space<hbm>>
      %dma_start3A_100 = tpu.memref_slice %arg8[%mul3A_98] : memref<1600000xf32, #tpu.memory_space<hbm>> -> memref<50000xf32, #tpu.memory_space<hbm>>
      tpu.enqueue_dma source(%arg9 : memref<50000xf32, #tpu.memory_space<vmem>>) target(%dma_start3A_100 : memref<50000xf32, #tpu.memory_space<hbm>>) target_semaphore(%run_scoped3A : memref<!tpu.dma_semaphore, #tpu.memory_space<semaphore_mem>>)
      %dma_wait3A_101 = tpu.memref_slice %arg8[%mul3A_98] : memref<1600000xf32, #tpu.memory_space<hbm>> -> memref<50000xf32, #tpu.memory_space<hbm>>
      %dma_wait3A_102 = tpu.memref_slice %arg8[%mul3A_98] : memref<1600000xf32, #tpu.memory_space<hbm>> -> memref<50000xf32, #tpu.memory_space<hbm>>
      tpu.wait_dma2 semaphore(%run_scoped3A : memref<!tpu.dma_semaphore, #tpu.memory_space<semaphore_mem>>) src(%arg9 : memref<50000xf32, #tpu.memory_space<vmem>>) dst(%dma_wait3A_102 : memref<50000xf32, #tpu.memory_space<hbm>>)
      tpu.yield
    }) : () -> ()
    return
  }
}

module attributes {stable_mosaic.version = 14 : i64} {
  func.func @_question_body(%arg0: memref<32x768xf32, #tpu.memory_space<vmem>>, %arg1: memref<32x32x768xf32, #tpu.memory_space<vmem>>, %arg2: memref<32x32xf32, #tpu.memory_space<vmem>>, %arg3: memref<768x768xf32, #tpu.memory_space<vmem>>, %arg4: memref<1x768xf32, #tpu.memory_space<vmem>>, %arg5: memref<768x768xf32, #tpu.memory_space<vmem>>, %arg6: memref<1x768xf32, #tpu.memory_space<vmem>>, %arg7: memref<768x512xf32, #tpu.memory_space<vmem>>, %arg8: memref<1x512xf32, #tpu.memory_space<vmem>>, %arg9: memref<768x2xf32, #tpu.memory_space<vmem>>, %arg10: memref<1x2xf32, #tpu.memory_space<vmem>>, %arg11: memref<6250x128xi32, #tpu.memory_space<vmem>>, %arg12: memref<6250x128xi32, #tpu.memory_space<vmem>>, %arg13: memref<100x2x4000xi32, #tpu.memory_space<vmem>>, %arg14: memref<32x32xf32, #tpu.memory_space<vmem>>, %arg15: memref<32x32xf32, #tpu.memory_space<vmem>>, %arg16: memref<32x512xf32, #tpu.memory_space<vmem>>, %arg17: memref<32x512xf32, #tpu.memory_space<vmem>>, %arg18: memref<32x2xf32, #tpu.memory_space<vmem>>, %arg19: memref<6250x128xi32, #tpu.memory_space<vmem>>, %arg20: memref<100x4000xi32, #tpu.memory_space<vmem>>) attributes {dimension_semantics = [], scalar_prefetch = 0 : i64, scratch_operands = 0 : i64, tpu.core_type = #tpu.core_type<tc>} {
    %get3A = arith.constant 0 : index
    %get3A_0 = arith.constant 0 : index
    %get3A_1 = vector.load %arg11[%get3A, %get3A_0] : memref<6250x128xi32, #tpu.memory_space<vmem>>, vector<6250x128xi32>
    %get3A_2 = arith.constant 0 : index
    %get3A_3 = arith.constant 0 : index
    %get3A_4 = vector.load %arg12[%get3A_2, %get3A_3] : memref<6250x128xi32, #tpu.memory_space<vmem>>, vector<6250x128xi32>
    %shift_left3A = arith.constant 16 : i32
    %shift_left3A_5 = vector.broadcast %shift_left3A : i32 to vector<6250x128xi32>
    %shift_left3A_6 = arith.shli %get3A_4, %shift_left3A_5 : vector<6250x128xi32>
    %or3A = arith.ori %get3A_1, %shift_left3A_6 : vector<6250x128xi32>
    %swap3A = arith.constant 0 : index
    %swap3A_7 = arith.constant 0 : index
    %swap3A_8 = vector.load %arg19[%swap3A, %swap3A_7] : memref<6250x128xi32, #tpu.memory_space<vmem>>, vector<6250x128xi32>
    tpu.vector_store %arg19[%swap3A, %swap3A_7], %or3A {strides = array<i32>} : memref<6250x128xi32, #tpu.memory_space<vmem>>, vector<6250x128xi32>,
    %get3A_9 = arith.constant 0 : index
    %get3A_10 = arith.constant 0 : index
    %get3A_11 = arith.constant 0 : index
    %get3A_12 = vector.load %arg13[%get3A_9, %get3A_10, %get3A_11] : memref<100x2x4000xi32, #tpu.memory_space<vmem>>, vector<100x1x4000xi32>
    %get3A_13 = vector.shape_cast %get3A_12 : vector<100x1x4000xi32> to vector<100x4000xi32>
    %get3A_14 = arith.constant 0 : index
    %get3A_15 = arith.constant 1 : index
    %get3A_16 = arith.constant 0 : index
    %get3A_17 = vector.load %arg13[%get3A_14, %get3A_15, %get3A_16] : memref<100x2x4000xi32, #tpu.memory_space<vmem>>, vector<100x1x4000xi32>
    %get3A_18 = vector.shape_cast %get3A_17 : vector<100x1x4000xi32> to vector<100x4000xi32>
    %shift_left3A_19 = arith.constant 16 : i32
    %shift_left3A_20 = vector.broadcast %shift_left3A_19 : i32 to vector<100x4000xi32>
    %shift_left3A_21 = arith.shli %get3A_18, %shift_left3A_20 : vector<100x4000xi32>
    %or3A_22 = arith.ori %get3A_13, %shift_left3A_21 : vector<100x4000xi32>
    %swap3A_23 = arith.constant 0 : index
    %swap3A_24 = arith.constant 0 : index
    %swap3A_25 = vector.load %arg20[%swap3A_23, %swap3A_24] : memref<100x4000xi32, #tpu.memory_space<vmem>>, vector<100x4000xi32>
    tpu.vector_store %arg20[%swap3A_23, %swap3A_24], %or3A_22 {strides = array<i32>} : memref<100x4000xi32, #tpu.memory_space<vmem>>, vector<100x4000xi32>,
    %get3A_26 = arith.constant 0 : index
    %get3A_27 = arith.constant 0 : index
    %get3A_28 = vector.load %arg0[%get3A_26, %get3A_27] : memref<32x768xf32, #tpu.memory_space<vmem>>, vector<32x768xf32>
    %get3A_29 = arith.constant 0 : index
    %get3A_30 = arith.constant 0 : index
    %get3A_31 = arith.constant 0 : index
    %get3A_32 = vector.load %arg1[%get3A_29, %get3A_30, %get3A_31] : memref<32x32x768xf32, #tpu.memory_space<vmem>>, vector<32x32x768xf32>
    %get3A_33 = arith.constant 0 : index
    %get3A_34 = arith.constant 0 : index
    %get3A_35 = vector.load %arg2[%get3A_33, %get3A_34] : memref<32x32xf32, #tpu.memory_space<vmem>>, vector<32x32xf32>
    %get3A_36 = arith.constant 0 : index
    %get3A_37 = arith.constant 0 : index
    %get3A_38 = vector.load %arg3[%get3A_36, %get3A_37] : memref<768x768xf32, #tpu.memory_space<vmem>>, vector<768x768xf32>
    %dot_general3A = arith.constant dense<0.000000e+00> : vector<32x768xf32>
    %dot_general3A_39 = tpu.matmul %get3A_28, %get3A_38, %dot_general3A {dimension_numbers = #tpu.dot_dimension_numbers<[1], [0], [0], [1], [0, 0, 1, 1], [], []>, transpose_lhs_hint = false} : vector<32x768xf32>, vector<768x768xf32>, vector<32x768xf32> -> vector<32x768xf32>
    %get3A_40 = arith.constant 0 : index
    %get3A_41 = arith.constant 0 : index
    %get3A_42 = vector.load %arg4[%get3A_40, %get3A_41] : memref<1x768xf32, #tpu.memory_space<vmem>>, vector<1x768xf32>
    %add3A = vector.broadcast %get3A_42 : vector<1x768xf32> to vector<32x768xf32>
    %add3A_43 = arith.addf %dot_general3A_39, %add3A : vector<32x768xf32>
    %tanh3A = math.tanh %add3A_43 : vector<32x768xf32>
    %broadcast_in_dim3A = vector.shape_cast %tanh3A : vector<32x768xf32> to vector<32x1x768xf32>
    %mul3A = vector.broadcast %broadcast_in_dim3A : vector<32x1x768xf32> to vector<32x32x768xf32>
    %mul3A_44 = arith.mulf %mul3A, %get3A_32 : vector<32x32x768xf32>
    %reduce_sum3A = arith.constant dense<0.000000e+00> : vector<32x32xf32>
    %reduce_sum3A_45 = vector.multi_reduction <add>, %mul3A_44, %reduce_sum3A [2] : vector<32x32x768xf32> to vector<32x32xf32>
    %reduce_max3A = arith.constant dense<0xFF800000> : vector<32xf32>
    %reduce_max3A_46 = vector.multi_reduction <maximumf>, %reduce_sum3A_45, %reduce_max3A [1] : vector<32x32xf32> to vector<32xf32>
    %max3A = arith.constant 0xFF800000 : f32
    %max3A_47 = vector.broadcast %max3A : f32 to vector<32xf32>
    %max3A_48 = arith.maximumf %max3A_47, %reduce_max3A_46 : vector<32xf32>
    %broadcast_in_dim3A_49 = vector.shape_cast %max3A_48 : vector<32xf32> to vector<32x1xf32>
    %sub3A = vector.broadcast %broadcast_in_dim3A_49 : vector<32x1xf32> to vector<32x32xf32>
    %sub3A_50 = arith.subf %reduce_sum3A_45, %sub3A : vector<32x32xf32>
    %exp3A = math.exp %sub3A_50 : vector<32x32xf32>
    %reduce_sum3A_51 = arith.constant dense<0.000000e+00> : vector<32xf32>
    %reduce_sum3A_52 = vector.multi_reduction <add>, %exp3A, %reduce_sum3A_51 [1] : vector<32x32xf32> to vector<32xf32>
    %broadcast_in_dim3A_53 = vector.shape_cast %reduce_sum3A_52 : vector<32xf32> to vector<32x1xf32>
    %div3A = vector.broadcast %broadcast_in_dim3A_53 : vector<32x1xf32> to vector<32x32xf32>
    %div3A_54 = arith.divf %exp3A, %div3A : vector<32x32xf32>
    %mul3A_55 = arith.mulf %div3A_54, %get3A_35 : vector<32x32xf32>
    %reduce_sum3A_56 = arith.constant dense<0.000000e+00> : vector<32xf32>
    %reduce_sum3A_57 = vector.multi_reduction <add>, %mul3A_55, %reduce_sum3A_56 [1] : vector<32x32xf32> to vector<32xf32>
    %broadcast_in_dim3A_58 = vector.shape_cast %reduce_sum3A_57 : vector<32xf32> to vector<32x1xf32>
    %add3A_59 = arith.constant 9.99999997E-7 : f32
    %add3A_60 = vector.broadcast %add3A_59 : f32 to vector<32x1xf32>
    %add3A_61 = arith.addf %broadcast_in_dim3A_58, %add3A_60 : vector<32x1xf32>
    %div3A_62 = vector.broadcast %add3A_61 : vector<32x1xf32> to vector<32x32xf32>
    %div3A_63 = arith.divf %mul3A_55, %div3A_62 : vector<32x32xf32>
    %swap3A_64 = arith.constant 0 : index
    %swap3A_65 = arith.constant 0 : index
    %swap3A_66 = vector.load %arg14[%swap3A_64, %swap3A_65] : memref<32x32xf32, #tpu.memory_space<vmem>>, vector<32x32xf32>
    tpu.vector_store %arg14[%swap3A_64, %swap3A_65], %div3A_63 {strides = array<i32>} : memref<32x32xf32, #tpu.memory_space<vmem>>, vector<32x32xf32>,
    %broadcast_in_dim3A_67 = vector.shape_cast %div3A_63 : vector<32x32xf32> to vector<32x32x1xf32>
    %mul3A_68 = vector.broadcast %broadcast_in_dim3A_67 : vector<32x32x1xf32> to vector<32x32x768xf32>
    %mul3A_69 = arith.mulf %mul3A_68, %get3A_32 : vector<32x32x768xf32>
    %reduce_sum3A_70 = arith.constant dense<0.000000e+00> : vector<32x768xf32>
    %reduce_sum3A_71 = vector.multi_reduction <add>, %mul3A_69, %reduce_sum3A_70 [1] : vector<32x32x768xf32> to vector<32x768xf32>
    %get3A_72 = arith.constant 0 : index
    %get3A_73 = arith.constant 0 : index
    %get3A_74 = vector.load %arg7[%get3A_72, %get3A_73] : memref<768x512xf32, #tpu.memory_space<vmem>>, vector<768x512xf32>
    %dot_general3A_75 = arith.constant dense<0.000000e+00> : vector<32x512xf32>
    %dot_general3A_76 = tpu.matmul %reduce_sum3A_71, %get3A_74, %dot_general3A_75 {dimension_numbers = #tpu.dot_dimension_numbers<[1], [0], [0], [1], [0, 0, 1, 1], [], []>, transpose_lhs_hint = false} : vector<32x768xf32>, vector<768x512xf32>, vector<32x512xf32> -> vector<32x512xf32>
    %get3A_77 = arith.constant 0 : index
    %get3A_78 = arith.constant 0 : index
    %get3A_79 = vector.load %arg8[%get3A_77, %get3A_78] : memref<1x512xf32, #tpu.memory_space<vmem>>, vector<1x512xf32>
    %add3A_80 = vector.broadcast %get3A_79 : vector<1x512xf32> to vector<32x512xf32>
    %add3A_81 = arith.addf %dot_general3A_76, %add3A_80 : vector<32x512xf32>
    %logistic3A = arith.negf %add3A_81 : vector<32x512xf32>
    %logistic3A_82 = math.exp %logistic3A : vector<32x512xf32>
    %logistic3A_83 = arith.constant 1.000000e+00 : f32
    %logistic3A_84 = vector.broadcast %logistic3A_83 : f32 to vector<32x512xf32>
    %logistic3A_85 = arith.addf %logistic3A_84, %logistic3A_82 : vector<32x512xf32>
    %logistic3A_86 = arith.divf %logistic3A_84, %logistic3A_85 : vector<32x512xf32>
    %swap3A_87 = arith.constant 0 : index
    %swap3A_88 = arith.constant 0 : index
    %swap3A_89 = vector.load %arg16[%swap3A_87, %swap3A_88] : memref<32x512xf32, #tpu.memory_space<vmem>>, vector<32x512xf32>
    tpu.vector_store %arg16[%swap3A_87, %swap3A_88], %logistic3A_86 {strides = array<i32>} : memref<32x512xf32, #tpu.memory_space<vmem>>, vector<32x512xf32>,
    %get3A_90 = arith.constant 0 : index
    %get3A_91 = arith.constant 0 : index
    %get3A_92 = vector.load %arg5[%get3A_90, %get3A_91] : memref<768x768xf32, #tpu.memory_space<vmem>>, vector<768x768xf32>
    %dot_general3A_93 = arith.constant dense<0.000000e+00> : vector<32x768xf32>
    %dot_general3A_94 = tpu.matmul %get3A_28, %get3A_92, %dot_general3A_93 {dimension_numbers = #tpu.dot_dimension_numbers<[1], [0], [0], [1], [0, 0, 1, 1], [], []>, transpose_lhs_hint = false} : vector<32x768xf32>, vector<768x768xf32>, vector<32x768xf32> -> vector<32x768xf32>
    %get3A_95 = arith.constant 0 : index
    %get3A_96 = arith.constant 0 : index
    %get3A_97 = vector.load %arg6[%get3A_95, %get3A_96] : memref<1x768xf32, #tpu.memory_space<vmem>>, vector<1x768xf32>
    %add3A_98 = vector.broadcast %get3A_97 : vector<1x768xf32> to vector<32x768xf32>
    %add3A_99 = arith.addf %dot_general3A_94, %add3A_98 : vector<32x768xf32>
    %tanh3A_100 = math.tanh %add3A_99 : vector<32x768xf32>
    %broadcast_in_dim3A_101 = vector.shape_cast %tanh3A_100 : vector<32x768xf32> to vector<32x1x768xf32>
    %mul3A_102 = vector.broadcast %broadcast_in_dim3A_101 : vector<32x1x768xf32> to vector<32x32x768xf32>
    %mul3A_103 = arith.mulf %mul3A_102, %get3A_32 : vector<32x32x768xf32>
    %reduce_sum3A_104 = arith.constant dense<0.000000e+00> : vector<32x32xf32>
    %reduce_sum3A_105 = vector.multi_reduction <add>, %mul3A_103, %reduce_sum3A_104 [2] : vector<32x32x768xf32> to vector<32x32xf32>
    %reduce_max3A_106 = arith.constant dense<0xFF800000> : vector<32xf32>
    %reduce_max3A_107 = vector.multi_reduction <maximumf>, %reduce_sum3A_105, %reduce_max3A_106 [1] : vector<32x32xf32> to vector<32xf32>
    %max3A_108 = arith.constant 0xFF800000 : f32
    %max3A_109 = vector.broadcast %max3A_108 : f32 to vector<32xf32>
    %max3A_110 = arith.maximumf %max3A_109, %reduce_max3A_107 : vector<32xf32>
    %broadcast_in_dim3A_111 = vector.shape_cast %max3A_110 : vector<32xf32> to vector<32x1xf32>
    %sub3A_112 = vector.broadcast %broadcast_in_dim3A_111 : vector<32x1xf32> to vector<32x32xf32>
    %sub3A_113 = arith.subf %reduce_sum3A_105, %sub3A_112 : vector<32x32xf32>
    %exp3A_114 = math.exp %sub3A_113 : vector<32x32xf32>
    %reduce_sum3A_115 = arith.constant dense<0.000000e+00> : vector<32xf32>
    %reduce_sum3A_116 = vector.multi_reduction <add>, %exp3A_114, %reduce_sum3A_115 [1] : vector<32x32xf32> to vector<32xf32>
    %broadcast_in_dim3A_117 = vector.shape_cast %reduce_sum3A_116 : vector<32xf32> to vector<32x1xf32>
    %div3A_118 = vector.broadcast %broadcast_in_dim3A_117 : vector<32x1xf32> to vector<32x32xf32>
    %div3A_119 = arith.divf %exp3A_114, %div3A_118 : vector<32x32xf32>
    %mul3A_120 = arith.mulf %div3A_119, %get3A_35 : vector<32x32xf32>
    %reduce_sum3A_121 = arith.constant dense<0.000000e+00> : vector<32xf32>
    %reduce_sum3A_122 = vector.multi_reduction <add>, %mul3A_120, %reduce_sum3A_121 [1] : vector<32x32xf32> to vector<32xf32>
    %broadcast_in_dim3A_123 = vector.shape_cast %reduce_sum3A_122 : vector<32xf32> to vector<32x1xf32>
    %add3A_124 = arith.constant 9.99999997E-7 : f32
    %add3A_125 = vector.broadcast %add3A_124 : f32 to vector<32x1xf32>
    %add3A_126 = arith.addf %broadcast_in_dim3A_123, %add3A_125 : vector<32x1xf32>
    %div3A_127 = vector.broadcast %add3A_126 : vector<32x1xf32> to vector<32x32xf32>
    %div3A_128 = arith.divf %mul3A_120, %div3A_127 : vector<32x32xf32>
    %swap3A_129 = arith.constant 0 : index
    %swap3A_130 = arith.constant 0 : index
    %swap3A_131 = vector.load %arg15[%swap3A_129, %swap3A_130] : memref<32x32xf32, #tpu.memory_space<vmem>>, vector<32x32xf32>
    tpu.vector_store %arg15[%swap3A_129, %swap3A_130], %div3A_128 {strides = array<i32>} : memref<32x32xf32, #tpu.memory_space<vmem>>, vector<32x32xf32>,
    %broadcast_in_dim3A_132 = vector.shape_cast %div3A_128 : vector<32x32xf32> to vector<32x32x1xf32>
    %mul3A_133 = vector.broadcast %broadcast_in_dim3A_132 : vector<32x32x1xf32> to vector<32x32x768xf32>
    %mul3A_134 = arith.mulf %mul3A_133, %get3A_32 : vector<32x32x768xf32>
    %reduce_sum3A_135 = arith.constant dense<0.000000e+00> : vector<32x768xf32>
    %reduce_sum3A_136 = vector.multi_reduction <add>, %mul3A_134, %reduce_sum3A_135 [1] : vector<32x32x768xf32> to vector<32x768xf32>
    %get3A_137 = arith.constant 0 : index
    %get3A_138 = arith.constant 0 : index
    %get3A_139 = vector.load %arg7[%get3A_137, %get3A_138] : memref<768x512xf32, #tpu.memory_space<vmem>>, vector<768x512xf32>
    %dot_general3A_140 = arith.constant dense<0.000000e+00> : vector<32x512xf32>
    %dot_general3A_141 = tpu.matmul %reduce_sum3A_136, %get3A_139, %dot_general3A_140 {dimension_numbers = #tpu.dot_dimension_numbers<[1], [0], [0], [1], [0, 0, 1, 1], [], []>, transpose_lhs_hint = false} : vector<32x768xf32>, vector<768x512xf32>, vector<32x512xf32> -> vector<32x512xf32>
    %get3A_142 = arith.constant 0 : index
    %get3A_143 = arith.constant 0 : index
    %get3A_144 = vector.load %arg8[%get3A_142, %get3A_143] : memref<1x512xf32, #tpu.memory_space<vmem>>, vector<1x512xf32>
    %add3A_145 = vector.broadcast %get3A_144 : vector<1x512xf32> to vector<32x512xf32>
    %add3A_146 = arith.addf %dot_general3A_141, %add3A_145 : vector<32x512xf32>
    %logistic3A_147 = arith.negf %add3A_146 : vector<32x512xf32>
    %logistic3A_148 = math.exp %logistic3A_147 : vector<32x512xf32>
    %logistic3A_149 = arith.constant 1.000000e+00 : f32
    %logistic3A_150 = vector.broadcast %logistic3A_149 : f32 to vector<32x512xf32>
    %logistic3A_151 = arith.addf %logistic3A_150, %logistic3A_148 : vector<32x512xf32>
    %logistic3A_152 = arith.divf %logistic3A_150, %logistic3A_151 : vector<32x512xf32>
    %swap3A_153 = arith.constant 0 : index
    %swap3A_154 = arith.constant 0 : index
    %swap3A_155 = vector.load %arg17[%swap3A_153, %swap3A_154] : memref<32x512xf32, #tpu.memory_space<vmem>>, vector<32x512xf32>
    tpu.vector_store %arg17[%swap3A_153, %swap3A_154], %logistic3A_152 {strides = array<i32>} : memref<32x512xf32, #tpu.memory_space<vmem>>, vector<32x512xf32>,
    %get3A_156 = arith.constant 0 : index
    %get3A_157 = arith.constant 0 : index
    %get3A_158 = vector.load %arg9[%get3A_156, %get3A_157] : memref<768x2xf32, #tpu.memory_space<vmem>>, vector<768x2xf32>
    %dot_general3A_159 = arith.constant dense<0.000000e+00> : vector<32x2xf32>
    %dot_general3A_160 = tpu.matmul %get3A_28, %get3A_158, %dot_general3A_159 {dimension_numbers = #tpu.dot_dimension_numbers<[1], [0], [0], [1], [0, 0, 1, 1], [], []>, transpose_lhs_hint = false} : vector<32x768xf32>, vector<768x2xf32>, vector<32x2xf32> -> vector<32x2xf32>
    %get3A_161 = arith.constant 0 : index
    %get3A_162 = arith.constant 0 : index
    %get3A_163 = vector.load %arg10[%get3A_161, %get3A_162] : memref<1x2xf32, #tpu.memory_space<vmem>>, vector<1x2xf32>
    %add3A_164 = vector.broadcast %get3A_163 : vector<1x2xf32> to vector<32x2xf32>
    %add3A_165 = arith.addf %dot_general3A_160, %add3A_164 : vector<32x2xf32>
    %reduce_max3A_166 = arith.constant dense<0xFF800000> : vector<32xf32>
    %reduce_max3A_167 = vector.multi_reduction <maximumf>, %add3A_165, %reduce_max3A_166 [1] : vector<32x2xf32> to vector<32xf32>
    %max3A_168 = arith.constant 0xFF800000 : f32
    %max3A_169 = vector.broadcast %max3A_168 : f32 to vector<32xf32>
    %max3A_170 = arith.maximumf %max3A_169, %reduce_max3A_167 : vector<32xf32>
    %broadcast_in_dim3A_171 = vector.shape_cast %max3A_170 : vector<32xf32> to vector<32x1xf32>
    %sub3A_172 = vector.broadcast %broadcast_in_dim3A_171 : vector<32x1xf32> to vector<32x2xf32>
    %sub3A_173 = arith.subf %add3A_165, %sub3A_172 : vector<32x2xf32>
    %exp3A_174 = math.exp %sub3A_173 : vector<32x2xf32>
    %reduce_sum3A_175 = arith.constant dense<0.000000e+00> : vector<32xf32>
    %reduce_sum3A_176 = vector.multi_reduction <add>, %exp3A_174, %reduce_sum3A_175 [1] : vector<32x2xf32> to vector<32xf32>
    %broadcast_in_dim3A_177 = vector.shape_cast %reduce_sum3A_176 : vector<32xf32> to vector<32x1xf32>
    %div3A_178 = vector.broadcast %broadcast_in_dim3A_177 : vector<32x1xf32> to vector<32x2xf32>
    %div3A_179 = arith.divf %exp3A_174, %div3A_178 : vector<32x2xf32>
    %swap3A_180 = arith.constant 0 : index
    %swap3A_181 = arith.constant 0 : index
    %swap3A_182 = vector.load %arg18[%swap3A_180, %swap3A_181] : memref<32x2xf32, #tpu.memory_space<vmem>>, vector<32x2xf32>
    tpu.vector_store %arg18[%swap3A_180, %swap3A_181], %div3A_179 {strides = array<i32>} : memref<32x2xf32, #tpu.memory_space<vmem>>, vector<32x2xf32>,
    return
  }
}

module attributes {stable_mosaic.version = 14 : i64} {
  func.func @_combine_body(%arg0: i32, %arg1: memref<8x50000xf32, #tpu.memory_space<vmem>>, %arg2: memref<8x50000xf32, #tpu.memory_space<vmem>>, %arg3: memref<8x2xf32, #tpu.memory_space<vmem>>, %arg4: memref<8x50000xf32, #tpu.memory_space<vmem>>) attributes {dimension_semantics = [#tpu.dimension_semantics<arbitrary>], iteration_bounds = array<i64: 4>, scalar_prefetch = 0 : i64, scratch_operands = 0 : i64, tpu.core_type = #tpu.core_type<tc>, window_params = [{transform_indices = @transform_0, window_bounds = array<i64: 8, 50000>}, {transform_indices = @transform_1, window_bounds = array<i64: 8, 50000>}, {transform_indices = @transform_2, window_bounds = array<i64: 8, 2>}, {transform_indices = @transform_3, window_bounds = array<i64: 8, 50000>}]} {
    %get3A = arith.constant 0 : index
    %get3A_0 = arith.constant 0 : index
    %get3A_1 = vector.load %arg3[%get3A, %get3A_0] : memref<8x2xf32, #tpu.memory_space<vmem>>, vector<8x1xf32>
    %get3A_2 = arith.constant 0 : index
    %get3A_3 = arith.constant 1 : index
    %get3A_4 = vector.load %arg3[%get3A_2, %get3A_3] : memref<8x2xf32, #tpu.memory_space<vmem>>, vector<8x1xf32>
    %get3A_5 = arith.constant 0 : index
    %get3A_6 = arith.constant 0 : index
    %get3A_7 = vector.load %arg1[%get3A_5, %get3A_6] : memref<8x50000xf32, #tpu.memory_space<vmem>>, vector<8x50000xf32>
    %mul3A = vector.broadcast %get3A_1 : vector<8x1xf32> to vector<8x50000xf32>
    %mul3A_8 = arith.mulf %mul3A, %get3A_7 : vector<8x50000xf32>
    %get3A_9 = arith.constant 0 : index
    %get3A_10 = arith.constant 0 : index
    %get3A_11 = vector.load %arg2[%get3A_9, %get3A_10] : memref<8x50000xf32, #tpu.memory_space<vmem>>, vector<8x50000xf32>
    %mul3A_12 = vector.broadcast %get3A_4 : vector<8x1xf32> to vector<8x50000xf32>
    %mul3A_13 = arith.mulf %mul3A_12, %get3A_11 : vector<8x50000xf32>
    %add3A = arith.addf %mul3A_8, %mul3A_13 : vector<8x50000xf32>
    %swap3A = arith.constant 0 : index
    %swap3A_14 = arith.constant 0 : index
    %swap3A_15 = vector.load %arg4[%swap3A, %swap3A_14] : memref<8x50000xf32, #tpu.memory_space<vmem>>, vector<8x50000xf32>
    tpu.vector_store %arg4[%swap3A, %swap3A_14], %add3A {strides = array<i32>} : memref<8x50000xf32, #tpu.memory_space<vmem>>, vector<8x50000xf32>,
    return
  }
  func.func @transform_0(%arg0: i32) -> (i32, i32) {
    %c0_i32 = arith.constant 0 : i32
    %c0_i32_0 = arith.constant 0 : i32
    return %arg0, %c0_i32 : i32, i32
  }
  func.func @transform_1(%arg0: i32) -> (i32, i32) {
    %c0_i32 = arith.constant 0 : i32
    %c0_i32_0 = arith.constant 0 : i32
    return %arg0, %c0_i32 : i32, i32
  }
  func.func @transform_2(%arg0: i32) -> (i32, i32) {
    %c0_i32 = arith.constant 0 : i32
    %c0_i32_0 = arith.constant 0 : i32
    return %arg0, %c0_i32 : i32, i32
  }
  func.func @transform_3(%arg0: i32) -> (i32, i32) {
    %c0_i32 = arith.constant 0 : i32
    %c0_i32_0 = arith.constant 0 : i32
    return %arg0, %c0_i32 : i32, i32
  }
}

</mosaic_0001>

<sc_bundles>
// kernel: kernel.5.cloned.1.call-start
scs
__scs_entry_jumppad:
0x0: {  	(pc) =	sbr.rel $0x88, $3  }
0x1: {  	(tag) =	ssettag $0x0;
	lr =	simm.s32 $0x1  }
0x2: {  	[smem:$0x3F92] =	sst lr;
	_ =	strace $0xD0000000  }
0x3: {  	_ = 	snop  }
0x4: {  	_ = 	snop  }
0x5: {  	_ = 	snop  }
0x6: {  	_ = 	snop  }
0x7: {  	_ = 	snop  }
__scs_overlays_trampoline_lowered:
0x8: {  	[smem:$0x3FA1] =	sst s0  }
0x9: {  	[smem:$0x3FA2] =	sst s1  }
0xa: {  	[smem:$0x3FA3] =	sst s2  }
0xb: {  	[smem:$0x3FA4] =	sst s3  }
0xc: {  	[smem:$0x3FA5] =	sst s4  }
0xd: {  	[smem:$0x3FA6] =	sst s5  }
0xe: {  	[smem:$0x3FA7] =	sst s6  }
0xf: {  	[smem:$0x3FA8] =	sst s7  }
0x10: {  	[smem:$0x3FA9] =	sst s8  }
0x11: {  	[smem:$0x3FAA] =	sst s9;
	s0 =	simm.s32 @!p0 $0x0  }
0x12: {  	s1 =	sld [smem:$0x3F90];
	s0 =	simm.s32 @p0 $0x1  }
0x13: {  	[smem:$0x3FAB] =	sst s0;
	s0 =	simm.s32 @!p1 $0x0  }
0x14: {  	s2 =	sld [smem:$0x3F8F];
	s0 =	simm.s32 @p1 $0x1  }
0x15: {  	[smem:$0x3FAC] =	sst s0;
	s0 =	simm.s32 @!p2 $0x0  }
0x16: {  	s3 =	sld [smem:$0x3FDB];
	s0 =	simm.s32 @p2 $0x1  }
0x17: {  	s4 =	simm.s32 $0x1BF5;
	[smem:$0x3FAE] =	sst s0  }
0x18: {  	s0 =	sld [smem:$0x3F91];
	_ =	swait.ge [sflag:s4], $0x0  }
0x19: {  	s7 =	sld [smem:$0x3F92]  }
0x1a: {  	s8 =	sadd.s32 $0xFFFFE003, lr  }
0x1b: {  	s9 =	sadd.s32 $0xFFFFFEF7, lr;
	s5 =	simm.s32 $0xFFFFFFFF;
	p2 =	slt.u32 s8, $0xFFFFF086  }
0x1c: {  	p1 =	slt.u32 s9, $0xF7A;
	s5 =	simm.s32 @!p2 $0x0  }
0x1d: {  	s5 =	simm.s32 @p1 $0x1;
	p0 =	seq.s32 s7, s2  }
0x1e: {  	s7 =	smul.u32 @!p0 $0xF7A, s2;
	p2 =	seq.s32 @!p0 s5, $0x0  }
0x1f: {  	s9 =	smul.u32 $0xF7A, s1;
	s8 =	simm.s32 @!p0 $0x1BF5;
	p2 =	por !p2, p0  }
0x20: {  	[sflag:s8] =	ssyncset.s32 @!p0 $0xFFFFF086;
	s6 =	sadd.s32 @!p0 s3, s7;
	s7 =	simm.s32 @!p0 $0x108  }
0x21: {  	s3 =	sadd.s32 s3, s9;
	s6 =	sadd.s32 @!p0 $0x88, s6;
	s7 =	simm.s32 @p2 $0x1082  }
0x22: {  	[simem:s7], [sflag:s8] =	dma.local @!p0 [hbm:s6], $0xF7A  }
0x23: {  	s9 =	sor.u32 $0xD0000000, s2;
	s6 =	simm.s32 $0x108;
	_ =	swait.ge @!p0 [sflag:s8], $0x0  }
0x24: {  	s3 =	sadd.s32 $0x88, s3;
	s6 =	simm.s32 @!p1 $0x1082;
	[sflag:s4] =	ssyncset.s32 $0xFFFFF086  }
0x25: {  	[simem:s6], [sflag:s4] =	dma.local [hbm:s3], $0xF7A  }
0x26: {  	[smem:$0x3F92] =	sst s1;
	(tag) =	ssettag s2;
	_ =	strace s9  }
0x27: {  	s1 =	sld [smem:$0x3FA2]  }
0x28: {  	s2 =	sld [smem:$0x3FA3]  }
0x29: {  	s4 =	sld [smem:$0x3FA5]  }
0x2a: {  	p0 =	seq.s32 s5, $0x0;
	s5 =	sld [smem:$0x3FA6]  }
0x2b: {  	s6 =	sld [smem:$0x3FA7]  }
0x2c: {  	s7 =	sld [smem:$0x3FA8]  }
0x2d: {  	s3 =	simm.s32 $0x108;
	s8 =	sld [smem:$0x3FA9]  }
0x2e: {  	s3 =	simm.s32 @!p0 $0x1082;
	s9 =	sld [smem:$0x3FAA]  }
0x2f: {  	lr =	sadd.s32 s0, s3;
	s0 =	sld [smem:$0x3FA1]  }
0x30: {  	s3 =	sld [smem:$0x3FA4]  }
0x31: {  	[smem:$0x3FAD] =	sst s10  }
0x32: {  	s10 =	sld [smem:$0x3FAB];
	_ =	sdelay $0x3  }
0x33: {  	p0 =	seq.s32 s10, $0x1;
	s10 =	sld [smem:$0x3FAD];
	_ =	sdelay $0x3  }
0x34: {  	[smem:$0x3FAD] =	sst s10  }
0x35: {  	s10 =	sld [smem:$0x3FAC];
	_ =	sdelay $0x3  }
0x36: {  	p1 =	seq.s32 s10, $0x1;
	s10 =	sld [smem:$0x3FAD];
	_ =	sdelay $0x3  }
0x37: {  	[smem:$0x3FAD] =	sst s10  }
0x38: {  	s10 =	sld [smem:$0x3FAE]  }
0x39: {  	_ = 	snop;
	(pc) =	sbr.ind lr, $3  }
0x3a: {  	_ = 	snop  }
0x3b: {  	_ = 	snop  }
0x3c: {  	p2 =	seq.s32 s10, $0x1;
	s10 =	sld [smem:$0x3FAD]  }
0x3d: {  	_ =	shalt  }
0x3e: {  	_ =	shalt  }
0x3f: {  	_ =	shalt  }
0x40: {  	_ =	shalt  }
0x41: {  	_ =	shalt  }
0x42: {  	_ =	shalt  }
0x43: {  	_ =	shalt  }
0x44: {  	_ =	shalt  }
0x45: {  	_ =	shalt  }
0x46: {  	_ =	shalt  }
0x47: {  	_ =	shalt  }
0x48: {  	_ =	shalt  }
0x49: {  	_ =	shalt  }
0x4a: {  	_ =	shalt  }
0x4b: {  	_ =	shalt  }
0x4c: {  	_ =	shalt  }
0x4d: {  	_ =	shalt  }
0x4e: {  	_ =	shalt  }
0x4f: {  	_ =	shalt  }
0x50: {  	_ =	shalt  }
0x51: {  	_ =	shalt  }
0x52: {  	_ =	shalt  }
0x53: {  	_ =	shalt  }
0x54: {  	_ =	shalt  }
0x55: {  	_ =	shalt  }
0x56: {  	_ =	shalt  }
0x57: {  	_ =	shalt  }
0x58: {  	_ =	shalt  }
0x59: {  	_ =	shalt  }
0x5a: {  	_ =	shalt  }
0x5b: {  	_ =	shalt  }
0x5c: {  	_ =	shalt  }
0x5d: {  	_ =	shalt  }
0x5e: {  	_ =	shalt  }
0x5f: {  	_ =	shalt  }
0x60: {  	_ =	shalt  }
0x61: {  	_ =	shalt  }
0x62: {  	_ =	shalt  }
0x63: {  	_ =	shalt  }
0x64: {  	_ =	shalt  }
0x65: {  	_ =	shalt  }
0x66: {  	_ =	shalt  }
0x67: {  	_ =	shalt  }
0x68: {  	_ =	shalt  }
0x69: {  	_ =	shalt  }
0x6a: {  	_ =	shalt  }
0x6b: {  	_ =	shalt  }
0x6c: {  	_ =	shalt  }
0x6d: {  	_ =	shalt  }
0x6e: {  	_ =	shalt  }
0x6f: {  	_ =	shalt  }
0x70: {  	_ =	shalt  }
0x71: {  	_ =	shalt  }
0x72: {  	_ =	shalt  }
0x73: {  	_ =	shalt  }
0x74: {  	_ =	shalt  }
0x75: {  	_ =	shalt  }
0x76: {  	_ =	shalt  }
0x77: {  	_ =	shalt  }
0x78: {  	_ =	shalt  }
0x79: {  	_ =	shalt  }
0x7a: {  	_ =	shalt  }
0x7b: {  	_ =	shalt  }
0x7c: {  	_ =	shalt  }
0x7d: {  	_ =	shalt  }
0x7e: {  	_ =	shalt  }
0x7f: {  	_ =	shalt  }
0x80: {  	_ =	shalt  }
0x81: {  	_ =	shalt  }
0x82: {  	_ =	shalt  }
0x83: {  	_ =	shalt  }
0x84: {  	_ =	shalt  }
0x85: {  	_ =	shalt  }
0x86: {  	_ =	shalt  }
0x87: {  	_ =	shalt  }
.Lfunc_end0:
.L_simem_size_0:
called_computation_lowered:
.L_overlay_start_0:
0x88: {  	s2 =	sld [smem:$0x3FD9]  }
0x89: {  	s3 =	sld [smem:$0x3FFE];
	_ =	sdelay $0x1  }
0x8a: {  	s1 =	srdreg.scid  }
0x8b: {  	s0 =	sand.u32 $0x1, s1  }
0x8c: {  	s14 =	sshll.u32 s0, $0xA;
	s2 =	sadd.s32 s3, s2  }
0x8d: {  	s2 =	sadd.s32 s2, s14  }
0x8e: {  	[smem:$0x3FB9] =	sst s2  }
0x8f: {  	_ = 	snop  }
0x90: {  	s2 =	sld [smem:$0x3FD0];
	_ =	sdelay $0x2  }
0x91: {  	s15 =	simm.s32 $0xA;
	s4 =	simm.s32 $0x10  }
0x92: {  	[smem:s4], [sflag:s15] =	dma.local [hbm:s2], $0x1  }
0x93: {  	_ =	swait.eq [sflag:s15], $0x1  }
0x94: {  	s16 =	sld [smem:$0x10];
	[sflag:s15] =	ssyncset.done $0x0  }
0x95: {  	s17 =	sld [smem:$0x15];
	[sflag:s15] =	ssyncadd.s32 $0xFFFFFFFF  }
0x96: {  	s18 =	sld [smem:$0x16];
	(tm) =	ssettm $0x1  }
0x97: {  	s5 =	sld [smem:$0x3FFB];
	_ =	sdelay $0x3  }
0x98: {  	_ =	strace s5  }
0x99: {  	s5 =	sld [smem:$0x3FFC];
	_ =	sdelay $0x3  }
0x9a: {  	_ =	strace s5  }
0x9b: {  	s5 =	sld [smem:$0x3FFD];
	_ =	sdelay $0x3  }
0x9c: {  	_ =	strace s5  }
0x9d: {  	_ =	strace $0x8FFFFFFF  }
0x9e: {  	s19 =	sld [smem:$0x3FDB];
	_ =	sdelay $0x1  }
0x9f: {  	s6 =	simm.s32 $_scs_section_size  }
0xa0: {  	s7 =	simm.s32 $_size__tile_overlayer_lowered;
	s8 =	simm.s32 $_tile_overlayer_lowered  }
0xa1: {  	s22 =	simm.s32 $0x1BFF;
	s21 =	sshll.u32 s8, $0x1;
	s5 =	sadd.s32 s6, s19  }
0xa2: {  	s9 =	simm.s32 $0x0;
	s20 =	sshll.u32 s7, $0x1;
	s7 =	sadd.s32 s21, s5  }
0xa3: {  	[timem:s9], [sflag:s22] =	dma.local [hbm:s7], s20  }
0xa4: {  	_ =	swait.ge [sflag:s22], s20  }
0xa5: {  	s6 =	ssub.s32 $0x0, s20;
	[sflag:s22] =	ssyncset.done $0x0  }
0xa6: {  	[sflag:s22] =	ssyncadd.s32 s6;
	_ =	sdelay $0x1  }
0xa7: {  	s23 =	simm.s32 $0x1B8B  }
0xa8: {  	_ =	swait.ge [sflag:s23], $0x1  }
0xa9: {  	[sflag:s23] =	ssyncset.done $0x0  }
0xaa: {  	s25 =	simm.s32 $0x1B8E;
	s24 =	sld [smem:$0x3FFE];
	[sflag:s23] =	ssyncadd.s32 $0xFFFFFFFF  }
0xab: {  	s26 =	simm.s32 $execute0_lowered;
	[smem:$0x3FD2] =	sst s25  }
0xac: {  	s7 =	sshll.u32 s26, $0x1;
	_ =	strace $0x80000046;
	[dreg:$0x1] =	wrdreg $0xFFFFFFFF  }
0xad: {  	s28 =	simm.s32 $_size_execute0_lowered;
	s5 =	sadd.s32 s5, s7;
	[dreg:$0x0] =	wrdreg $0x0  }
0xae: {  	s7 =	sshll.u32 s28, $0x1;
	[dreg:$0x2] =	wrdreg s5  }
0xaf: {  	[dreg:$0x3] =	wrdreg s7  }
0xb0: {  	[dreg:$0x4] =	wrdreg $0xC0  }
0xb1: {  	_ =	task [dreg:s9], $0x5FFFF  }
0xb2: {  	[dreg:$0x1] =	wrdreg $0xFFFFFFFF  }
0xb3: {  	[dreg:$0x0] =	wrdreg $0x60  }
0xb4: {  	[dreg:$0x2] =	wrdreg s18  }
0xb5: {  	[dreg:$0x3] =	wrdreg s24  }
0xb6: {  	[dreg:$0x4] =	wrdreg s17  }
0xb7: {  	[dreg:$0x5] =	wrdreg s16  }
0xb8: {  	[dreg:$0x6] =	wrdreg $0x9  }
0xb9: {  	_ =	task.clear_ibuf [dreg:s9], $0x7FFFF;
	_ =	strace $0x90000046  }
0xba: {  	s29 =	simm.s32 $0x9;
	_ =	strace $0x80000048  }
0xbb: {  	_ =	swait.ge [sflag:s29], $0x1  }
0xbc: {  	[sflag:s29] =	ssyncadd.s32 $0xFFFFFFFF  }
0xbd: {  	_ =	strace $0x90000048  }
0xbe: {  	_ =	sfence  }
0xbf: {  	s30 =	sld [smem:$0x0];
	_ =	sdelay $0x2  }
0xc0: {  	s31 =	sshll.u32 s1, $0xD;
	s1 =	sshrl.u32 s1, $0x2  }
0xc1: {  	s3 =	sand.u32 $0x4000, s31;
	s1 =	sadd.s32 s1, s30  }
0xc2: {  	s0 =	sor.u32 s3, s0;
	s1 =	sshll.u32 s1, $0x11  }
0xc3: {  	s0 =	sor.u32 s1, s0  }
0xc4: {  	s0 =	sadd.s32 $0x8F2B, s0  }
0xc5: {  	[sflag:s0] =	ssyncadd.remote.s32 $0x1  }
0xc6: {  	_ =	sfence.sel $0xFFFF  }
0xc7: {  	[dreg:$0x0] =	wrdreg $0xFFFFFFFF;
	(pc) =	sbr.abs _section_cstart, $3  }
0xc8: {  	[dreg:$0x1] =	wrdreg $0xFFFFFFFF  }
0xc9: {  	_ =	task.clear_ibuf [dreg:s9], $0x2FFFF;
	_ =	strace $0x9FFFFFFF  }
0xca: {  	(tm) =	ssettm $0x7FFFFFFF  }
0xcb: {  	_ =	shalt  }
tec
execute0_lowered:
.L_overlay_start_1:
0x0: {  	(tag) =	ssettag $0x1  }
0x1: {  	s5 =	rddreg [dreg:$0x0]  }
0x2: {  	s4 =	rddreg [dreg:$0x1]  }
0x3: {  	s7 =	rddreg [dreg:$0x2]  }
0x4: {  	s9 =	rddreg [dreg:$0x3]  }
0x5: {  	s0 =	rddreg [dreg:$0x4]  }
0x6: {  	s3 =	srdreg.scid;
	s1 =	stileid.u32;
	s2 =	simm.s32 $0x0  }
0x7: {  	s12 =	simm.s32 $0x1C780;
	s13 =	simm.s32 $0x4;
	s14 =	simm.s32 $0x18700  }
0x8: {  	s15 =	simm.s32 $0x1A840;
	s16 =	simm.s32 $0x1D720;
	s17 =	simm.s32 $0x1  }
0x9: {  	s18 =	simm.s32 $0xC380;
	s19 =	simm.s32 $0x2;
	s20 =	simm.s32 $0x3  }
0xa: {  	s3 =	sand.u32 $0x1, s3;
	s6 =	sshll.u32 s1, $0x1;
	[smem:$0x7FF] =	sst s2  }
0xb: {  	s21 =	simm.s32 $0x0;
	s6 =	sor.u32 s3, s6;
	_ =	strace $0x80000047  }
0xc: {  	s10 =	ssub.s32 $0x2, s3;
	s8 =	sshll.u32 s6, $0x6;
	s11 =	smul.u32 $0x186A, s6  }
0xd: {  	s3 =	sadd.s32 $0x3200, s4;
	s31 =	sshrl.u32 s10, $0x1;
	s8 =	sadd.s32 s8, s4  }
0xe: {  	s4 =	sadd.s32 $0x1CA00, s4;
	s10 =	ssub.s32 s10, s31;
	s5 =	sadd.s32 s5, s11  }
0xf: {  	s6 =	sadd.s32 $0x1BA00, s8;
	s7 =	sadd.s32 s7, s11;
	s8 =	sadd.s32 $0x1C200, s8  }
0x10: {  	v0 =	vimm.f32 $0.0e+00;
	s9 =	sadd.s32 s9, s11;
	s10 =	smax.u32 s10, $0x1;
	s11 =	simm.s32 $0x18900  }
.LBB2_1:
0x11: {  	[tilespmem:s11], [sflag:$0x1] =	stream.linear.gather [hbm4b:s3+s2], $0x1F40, $0x38;
	[tilespmem:$0x1E700] =	vst v63  }
0x12: {  	_ = 	snop  }
0x13: {  	[tilespmem:s12], [sflag:$0x1] =	stream.linear.gather [hbm4b:s4+s2], $0xFA0, $0x38;
	[tilespmem:$0x1E700] =	vst v63  }
0x14: {  	_ = 	snop  }
0x15: {  	[tilespmem:s2], [sflag:$0x4] =	stream.linear.gather [hbm4b:s5+s2], $0xC350, $0x38;
	[tilespmem:$0x1E700] =	vst v63  }
0x16: {  	_ =	swait.ge [sflag:s13], $0xC350  }
0x17: {  	[sflag:s13] =	ssyncset.done $0x0  }
0x18: {  	s22 =	simm.s32 $0xC3A0;
	[sflag:s13] =	ssyncadd.s32 $0xFFFF3CB0  }
0x19: {  	[tilespmem:s22+$0xFFFFFFE0] =	vst v0  }
0x1a: {  	[tilespmem:s22+$0x20] =	vst v0  }
0x1b: {  	[tilespmem:s22+$0x10] =	vst v0  }
0x1c: {  	s23 =	simm.s32 $0x0;
	[tilespmem:s22+$0x0] =	vst v0  }
.LBB2_2:
0x1d: {  	s23 =	sadd.s32 $0x5, s23  }
0x1e: {  	[tilespmem:s22+$0xFFFFFFF0] =	vst v0;
	s22 =	sadd.s32 $0x50, s22;
	p0 =	slt.u32 s23, $0xC30  }
.Ltmp0:
0x1f: {  	[tilespmem:s22+$0xFFFFFFE0] =	vst v0;
	(pc) =	sbr.rel @p0 .LBB2_2-.Ltmp0, $4  }
0x20: {  	_ = 	snop  }
0x21: {  	[tilespmem:s22+$0x20] =	vst v0  }
0x22: {  	[tilespmem:s22+$0x10] =	vst v0  }
0x23: {  	[tilespmem:s22+$0x0] =	vst v0  }
0x24: {  	[tilespmem:s22+$0xFFFFFFF0] =	vst v0;
	s22 =	simm.s32 $0x0  }
0x25: {  	[tilespmem:s14], [sflag:$0x4] =	stream.linear.gather [hbm4b:s6+s22], $0x200, $0x38;
	[tilespmem:$0x1E700] =	vst v63  }
0x26: {  	_ =	swait.ge [sflag:s13], $0x200  }
0x27: {  	[sflag:s13] =	ssyncset.done $0x0  }
0x28: {  	s23 =	simm.s32 $0x0;
	[sflag:s13] =	ssyncadd.s32 $0xFFFFFE00  }
.LBB2_4:
0x29: {  	s24 =	sshllo.u32 s23, $0x1  }
0x2a: {  	s25 =	smul.u32 $0x3E8, s24;
	_ =	sdelay $0x1  }
0x2b: {  	s24 =	smul.u32 $0x1F4, s24;
	s25 =	sadd.s32 s3, s25  }
0x2c: {  	[tilespmem:s15], [sflag:$0x2] =	stream.linear.gather [hbm4b:s25+s22], $0x1F40, $0x38;
	[tilespmem:$0x1E700] =	vst v63  }
0x2d: {  	s24 =	sadd.s32 s4, s24  }
0x2e: {  	[tilespmem:s16], [sflag:$0x2] =	stream.linear.gather [hbm4b:s24+s22], $0xFA0, $0x38;
	[tilespmem:$0x1E700] =	vst v63  }
0x2f: {  	_ =	swait.ge [sflag:s17], $0x1F40  }
0x30: {  	[sflag:s17] =	ssyncset.done $0x0  }
0x31: {  	[sflag:s17] =	ssyncadd.s32 $0xFFFFE0C0  }
0x32: {  	_ =	swait.ge [sflag:s17], $0xFA0  }
0x33: {  	[sflag:s17] =	ssyncset.done $0x0  }
0x34: {  	s31 =	simm.s32 $0x1C7D0;
	[sflag:s17] =	ssyncadd.s32 $0xFFFFF060  }
0x35: {  	v9 =	vld [tilespmem:s31+$0xFFFFFFB0]  }
0x36: {  	v7 =	vld [tilespmem:s31+$0xFFFFFFC0]  }
0x37: {  	s26 =	sand.u32 $0xFE0, s22;
	v6 =	vld [tilespmem:s31+$0xFFFFFFD0]  }
0x38: {  	v2 =	vld [tilespmem:s26+$0x18980]  }
0x39: {  	v10 =	vld [tilespmem:s26+$0x19900]  }
0x3a: {  	v8 =	vld [tilespmem:s31+$0xFFFFFFE0]  }
0x3b: {  	v5 =	vld [tilespmem:s31+$0xFFFFFFF0]  }
0x3c: {  	v4 =	vld [tilespmem:s31+$0x0]  }
0x3d: {  	v3 =	vld [tilespmem:s31+$0x10]  }
0x3e: {  	s24 =	simm.s32 $0x19930;
	v1 =	vld [tilespmem:s31+$0x20]  }
0x3f: {  	v13 =	vld [tilespmem:s24+$0xFFFFFFF0]  }
0x40: {  	v14 =	vld [tilespmem:s26+$0x1C800]  }
0x41: {  	v15 =	vld [tilespmem:s24+$0xFFFFEFE0]  }
0x42: {  	v16 =	vld [tilespmem:s24+$0xFFFFEFF0]  }
0x43: {  	v17 =	vld [tilespmem:s24+$0xFFFFF000]  }
0x44: {  	v19 =	vld [tilespmem:s24+$0xFFFFF010]  }
0x45: {  	v21 =	vld [tilespmem:s24+$0xFFFFF020]  }
0x46: {  	v22 =	vld [tilespmem:s24+$0xFFFFF030]  }
0x47: {  	v49 =	vld [tilespmem:s24+$0xFFFFF040]  }
0x48: {  	v53 =	vld [tilespmem:s24+$0xFFFFF060]  }
0x49: {  	v25 =	vld [tilespmem:s24+$0xFFFFEFD0]  }
0x4a: {  	v29 =	vld [tilespmem:s24+$0xFFFFFF70]  }
0x4b: {  	v30 =	vld [tilespmem:s24+$0xFFFFFF80]  }
0x4c: {  	v31 =	vld [tilespmem:s24+$0xFFFFFF90]  }
0x4d: {  	v33 =	vld [tilespmem:s24+$0xFFFFFFA0]  }
0x4e: {  	v35 =	vld [tilespmem:s24+$0xFFFFFFB0];
	v11 =	vand.u32 $0xFFFF, v2  }
0x4f: {  	v36 =	vld [tilespmem:s24+$0xFFFFFFC0];
	v12 =	vshrl.u32 v2, $0x10  }
0x50: {  	v38 =	vld [tilespmem:s24+$0xFFFFFFE0];
	v23 =	vand.u32 $0xFFFF, v15  }
0x51: {  	v62 =	vld [tilespmem:s24+$0x0];
	v52 =	vand.u32 $0xFFFF, v16;
	v16 =	vshrl.u32 v16, $0x10  }
0x52: {  	v2 =	vld [tilespmem:s31+$0x40];
	v24 =	vand.u32 $0xFFFF, v17  }
0x53: {  	v17 =	vshrl.u32 v17, $0x10;
	v11 =	vld.idx.msk [tilespmem:v11+s2+$0x0], $0xffff  }
0x54: {  	v26 =	vand.u32 $0xFFFF, v19;
	v12 =	vld.idx.msk [tilespmem:v12+s14+$0x0], $0xffff  }
0x55: {  	v19 =	vshrl.u32 v19, $0x10;
	v23 =	vld.idx.msk [tilespmem:v23+s2+$0x0], $0xffff  }
0x56: {  	v54 =	vand.u32 $0xFFFF, v25;
	v16 =	vld.idx.msk [tilespmem:v16+s14+$0x0], $0xffff  }
0x57: {  	v25 =	vshrl.u32 v25, $0x10;
	v24 =	vld.idx.msk [tilespmem:v24+s2+$0x0], $0xffff  }
0x58: {  	v57 =	vshrl.u32 v21, $0x10;
	v56 =	vld.idx.msk [tilespmem:v17+s14+$0x0], $0xffff  }
0x59: {  	v59 =	vand.u32 $0xFFFF, v22;
	v58 =	vld.idx.msk [tilespmem:v26+s2+$0x0], $0xffff  }
0x5a: {  	v22 =	vshrl.u32 v22, $0x10;
	v19 =	vld.idx.msk [tilespmem:v19+s14+$0x0], $0xffff  }
0x5b: {  	v50 =	vshrl.u32 v15, $0x10;
	v27 =	vand.u32 $0xFFFF, v49;
	v15 =	vld.idx.msk [tilespmem:v54+s2+$0x0], $0xffff  }
0x5c: {  	v28 =	vand.u32 $0xFFFF, v53;
	v25 =	vld.idx.msk [tilespmem:v25+s14+$0x0], $0xffff  }
0x5d: {  	v18 =	vand.u32 $0xFFFF, v14;
	v17 =	vld.idx.msk [tilespmem:v57+s14+$0x0], $0xffff  }
0x5e: {  	v26 =	vld.idx.msk [tilespmem:v59+s2+$0x0], $0xffff  }
0x5f: {  	v22 =	vld.idx.msk [tilespmem:v22+s14+$0x0], $0xffff  }
0x60: {  	v32 =	vand.u32 $0xFFFF, v9;
	v27 =	vld.idx.msk [tilespmem:v27+s2+$0x0], $0xffff;
	v11 =	vmul.f32 v12, v11  }
0x61: {  	v61 =	vand.u32 $0xFFFF, v5;
	v28 =	vld.idx.msk [tilespmem:v28+s2+$0x0], $0xffff  }
0x62: {  	v20 =	vand.u32 $0xFFFF, v13;
	[tilespmem:v18+s18+$0x0] =	vst.idx.add.f32.msk $0xffff, v11  }
0x63: {  	v13 =	vshrl.u32 v13, $0x10;
	v15 =	vmul.f32 v25, v15;
	v11 =	vld.idx.msk [tilespmem:v50+s14+$0x0], $0xffff  }
0x64: {  	v39 =	vand.u32 $0xFFFF, v29;
	v19 =	vmul.f32 v19, v58;
	v18 =	vld.idx.msk [tilespmem:v52+s2+$0x0], $0xffff  }
0x65: {  	v40 =	vshrl.u32 v29, $0x10;
	[tilespmem:v32+s18+$0x0] =	vst.idx.add.f32.msk $0xffff, v15  }
0x66: {  	v12 =	vshrl.u32 v49, $0x10;
	[tilespmem:v61+s18+$0x0] =	vst.idx.add.f32.msk $0xffff, v19  }
0x67: {  	v50 =	vshrl.u32 v35, $0x10;
	v51 =	vld.idx.msk [tilespmem:v20+s2+$0x0], $0xffff  }
0x68: {  	v13 =	vld.idx.msk [tilespmem:v13+s14+$0x0], $0xffff;
	v20 =	vshrl.u32 v53, $0x10  }
0x69: {  	v34 =	vand.u32 $0xFFFF, v7;
	v46 =	vld.idx.msk [tilespmem:v39+s2+$0x0], $0xffff  }
0x6a: {  	v60 =	vand.u32 $0xFFFF, v6;
	v15 =	vld.idx.msk [tilespmem:v40+s14+$0x0], $0xffff  }
0x6b: {  	v14 =	vshrl.u32 v14, $0x10;
	v12 =	vld.idx.msk [tilespmem:v12+s14+$0x0], $0xffff  }
0x6c: {  	v55 =	vand.u32 $0xFFFF, v21;
	v11 =	vmul.f32 v11, v23;
	v21 =	vld.idx.msk [tilespmem:v50+s14+$0x0], $0xffff  }
0x6d: {  	v42 =	vand.u32 $0xFFFF, v30;
	v16 =	vmul.f32 v16, v18;
	v20 =	vld.idx.msk [tilespmem:v20+s14+$0x0], $0xffff  }
0x6e: {  	v43 =	vshrl.u32 v30, $0x10;
	v13 =	vmul.f32 v13, v51;
	[tilespmem:v34+s18+$0x0] =	vst.idx.add.f32.msk $0xffff, v11  }
0x6f: {  	v37 =	vand.u32 $0xFFFF, v8;
	[tilespmem:v60+s18+$0x0] =	vst.idx.add.f32.msk $0xffff, v16  }
0x70: {  	v32 =	vand.u32 $0xFFFF, v1;
	[tilespmem:v14+s18+$0x0] =	vst.idx.add.f32.msk $0xffff, v13  }
0x71: {  	v44 =	vand.u32 $0xFFFF, v31;
	v13 =	vld.idx.msk [tilespmem:v55+s2+$0x0], $0xffff  }
0x72: {  	v47 =	vand.u32 $0xFFFF, v33;
	v14 =	vmul.f32 v56, v24;
	v19 =	vld.idx.msk [tilespmem:v42+s2+$0x0], $0xffff  }
0x73: {  	v49 =	vand.u32 $0xFFFF, v35;
	v12 =	vmul.f32 v12, v27;
	v11 =	vld.idx.msk [tilespmem:v43+s14+$0x0], $0xffff  }
0x74: {  	v54 =	vand.u32 $0xFFFF, v38;
	[tilespmem:v37+s18+$0x0] =	vst.idx.add.f32.msk $0xffff, v14  }
0x75: {  	v9 =	vshrl.u32 v9, $0x10;
	[tilespmem:v32+s18+$0x0] =	vst.idx.add.f32.msk $0xffff, v12  }
0x76: {  	v24 =	vand.u32 $0xFFFF, v3;
	v12 =	vld.idx.msk [tilespmem:v44+s2+$0x0], $0xffff  }
0x77: {  	v34 =	vand.u32 $0xFFFF, v2;
	v16 =	vld.idx.msk [tilespmem:v47+s2+$0x0], $0xffff  }
0x78: {  	v48 =	vshrl.u32 v33, $0x10;
	v14 =	vmul.f32 v15, v46;
	v41 =	vmul.f32 v20, v28;
	v20 =	vld.idx.msk [tilespmem:v49+s2+$0x0], $0xffff  }
0x79: {  	v55 =	vshrl.u32 v38, $0x10;
	v37 =	vmul.f32 v22, v26;
	v25 =	vld.idx.msk [tilespmem:v54+s2+$0x0], $0xffff  }
0x7a: {  	v53 =	vand.u32 $0xFFFF, v10;
	[tilespmem:v9+s18+$0x0] =	vst.idx.add.f32.msk $0xffff, v14  }
0x7b: {  	v10 =	vshrl.u32 v10, $0x10;
	[tilespmem:v24+s18+$0x0] =	vst.idx.add.f32.msk $0xffff, v37  }
0x7c: {  	v56 =	vand.u32 $0xFFFF, v62;
	[tilespmem:v34+s18+$0x0] =	vst.idx.add.f32.msk $0xffff, v41  }
0x7d: {  	v18 =	vshrl.u32 v62, $0x10;
	v13 =	vmul.f32 v17, v13;
	v17 =	vld.idx.msk [tilespmem:v48+s14+$0x0], $0xffff  }
0x7e: {  	v63 =	vand.u32 $0xFFFF, v4;
	v26 =	vld.idx.msk [tilespmem:v55+s14+$0x0], $0xffff  }
0x7f: {  	v45 =	vshrl.u32 v31, $0x10;
	v24 =	vld.idx.msk [tilespmem:v53+s2+$0x0], $0xffff  }
0x80: {  	v7 =	vshrl.u32 v7, $0x10;
	v10 =	vld.idx.msk [tilespmem:v10+s14+$0x0], $0xffff  }
0x81: {  	v51 =	vand.u32 $0xFFFF, v36;
	v57 =	vld.idx.msk [tilespmem:v56+s2+$0x0], $0xffff  }
0x82: {  	v52 =	vshrl.u32 v36, $0x10;
	v18 =	vld.idx.msk [tilespmem:v18+s14+$0x0], $0xffff  }
0x83: {  	v5 =	vshrl.u32 v5, $0x10;
	v11 =	vmul.f32 v11, v19;
	[tilespmem:v63+s18+$0x0] =	vst.idx.add.f32.msk $0xffff, v13  }
0x84: {  	v8 =	vshrl.u32 v8, $0x10;
	v13 =	vld.idx.msk [tilespmem:v45+s14+$0x0], $0xffff  }
0x85: {  	v1 =	vshrl.u32 v1, $0x10;
	[tilespmem:v7+s18+$0x0] =	vst.idx.add.f32.msk $0xffff, v11  }
0x86: {  	v3 =	vshrl.u32 v3, $0x10;
	v22 =	vld.idx.msk [tilespmem:v51+s2+$0x0], $0xffff;
	v59 =	vmul.f32 v21, v20  }
0x87: {  	v2 =	vshrl.u32 v2, $0x10;
	v23 =	vld.idx.msk [tilespmem:v52+s14+$0x0], $0xffff;
	v58 =	vmul.f32 v17, v16  }
0x88: {  	v6 =	vshrl.u32 v6, $0x10;
	[tilespmem:v5+s18+$0x0] =	vst.idx.add.f32.msk $0xffff, v59;
	v62 =	vmul.f32 v26, v25  }
0x89: {  	v4 =	vshrl.u32 v4, $0x10;
	v61 =	vmul.f32 v10, v24;
	[tilespmem:v8+s18+$0x0] =	vst.idx.add.f32.msk $0xffff, v58  }
0x8a: {  	v63 =	vmul.f32 v18, v57;
	[tilespmem:v1+s18+$0x0] =	vst.idx.add.f32.msk $0xffff, v62  }
0x8b: {  	v12 =	vmul.f32 v13, v12;
	[tilespmem:v3+s18+$0x0] =	vst.idx.add.f32.msk $0xffff, v61  }
0x8c: {  	v60 =	vmul.f32 v23, v22;
	[tilespmem:v2+s18+$0x0] =	vst.idx.add.f32.msk $0xffff, v63  }
0x8d: {  	s28 =	simm.s32 $0x1C870;
	[tilespmem:v6+s18+$0x0] =	vst.idx.add.f32.msk $0xffff, v12  }
0x8e: {  	s29 =	simm.s32 $0x0;
	s25 =	sshll.u32 s23, $0x1;
	s26 =	simm.s32 $0x0;
	[tilespmem:v4+s18+$0x0] =	vst.idx.add.f32.msk $0xffff, v60  }
.LBB2_5:
0x8f: {  	v7 =	vld [tilespmem:s28+$0xFFFFFFB0]  }
0x90: {  	s29 =	sadd.s32 $0xA0, s29;
	v1 =	vld [tilespmem:s28+$0xFFFFFFC0]  }
0x91: {  	s30 =	sand.u32 $0xFE0, s29;
	v2 =	vld [tilespmem:s28+$0xFFFFFFD0]  }
0x92: {  	v4 =	vld [tilespmem:s30+$0x18980]  }
0x93: {  	s26 =	sadd.s32 $0xA, s26;
	v6 =	vld [tilespmem:s30+$0x19900]  }
0x94: {  	p0 =	slt.u32 s26, $0xF0;
	v8 =	vld [tilespmem:s28+$0xFFFFFFE0]  }
0x95: {  	v9 =	vld [tilespmem:s28+$0xFFFFFFF0]  }
0x96: {  	v5 =	vld [tilespmem:s28+$0x0]  }
0x97: {  	v3 =	vld [tilespmem:s28+$0x10];
	v12 =	vand.u32 $0xFFFF, v4  }
0x98: {  	v13 =	vshrl.u32 v4, $0x10;
	v11 =	vand.u32 $0xFFFF, v6;
	v10 =	vshrl.u32 v6, $0x10;
	v6 =	vld [tilespmem:s28+$0x20]  }
0x99: {  	s24 =	sadd.s32 $0xA0, s24;
	v4 =	vld [tilespmem:s28+$0x40]  }
0x9a: {  	v14 =	vld [tilespmem:s24+$0xFFFFFFF0]  }
0x9b: {  	v15 =	vld [tilespmem:s30+$0x1C800]  }
0x9c: {  	v12 =	vld.idx.msk [tilespmem:v12+s2+$0x0], $0xffff  }
0x9d: {  	v13 =	vld.idx.msk [tilespmem:v13+s14+$0x0], $0xffff  }
0x9e: {  	v16 =	vld [tilespmem:s24+$0xFFFFEFE0]  }
0x9f: {  	v17 =	vld [tilespmem:s24+$0xFFFFEFF0]  }
0xa0: {  	v18 =	vld [tilespmem:s24+$0xFFFFF000];
	v19 =	vand.u32 $0xFFFF, v15  }
0xa1: {  	v21 =	vand.u32 $0xFFFF, v14;
	v20 =	vld [tilespmem:s24+$0xFFFFF010]  }
0xa2: {  	v14 =	vshrl.u32 v14, $0x10;
	v22 =	vld [tilespmem:s24+$0xFFFFF020]  }
0xa3: {  	v12 =	vmul.f32 v13, v12;
	v23 =	vand.u32 $0xFFFF, v16;
	v16 =	vshrl.u32 v16, $0x10;
	v24 =	vld [tilespmem:s24+$0xFFFFF030]  }
0xa4: {  	v13 =	vand.u32 $0xFFFF, v17;
	v17 =	vshrl.u32 v17, $0x10;
	v25 =	vld [tilespmem:s24+$0xFFFFF040]  }
0xa5: {  	v26 =	vand.u32 $0xFFFF, v18;
	v18 =	vshrl.u32 v18, $0x10;
	[tilespmem:v19+s18+$0x0] =	vst.idx.add.f32.msk $0xffff, v12  }
0xa6: {  	v12 =	vand.u32 $0xFFFF, v20;
	v19 =	vshrl.u32 v20, $0x10;
	v20 =	vld.idx.msk [tilespmem:v21+s2+$0x0], $0xffff  }
0xa7: {  	v21 =	vand.u32 $0xFFFF, v22;
	v22 =	vshrl.u32 v22, $0x10;
	v14 =	vld.idx.msk [tilespmem:v14+s14+$0x0], $0xffff  }
0xa8: {  	v27 =	vand.u32 $0xFFFF, v24;
	v24 =	vshrl.u32 v24, $0x10;
	v28 =	vld [tilespmem:s24+$0xFFFFF060]  }
0xa9: {  	v29 =	vld [tilespmem:s24+$0xFFFFEFD0];
	v30 =	vand.u32 $0xFFFF, v25;
	v25 =	vshrl.u32 v25, $0x10  }
0xaa: {  	v15 =	vshrl.u32 v15, $0x10;
	v23 =	vld.idx.msk [tilespmem:v23+s2+$0x0], $0xffff  }
0xab: {  	v16 =	vld.idx.msk [tilespmem:v16+s14+$0x0], $0xffff  }
0xac: {  	v13 =	vld.idx.msk [tilespmem:v13+s2+$0x0], $0xffff  }
0xad: {  	v14 =	vmul.f32 v14, v20;
	v17 =	vld.idx.msk [tilespmem:v17+s14+$0x0], $0xffff;
	v20 =	vand.u32 $0xFFFF, v28;
	v28 =	vshrl.u32 v28, $0x10  }
0xae: {  	v31 =	vand.u32 $0xFFFF, v29;
	v29 =	vshrl.u32 v29, $0x10;
	v26 =	vld.idx.msk [tilespmem:v26+s2+$0x0], $0xffff  }
0xaf: {  	[tilespmem:v15+s18+$0x0] =	vst.idx.add.f32.msk $0xffff, v14  }
0xb0: {  	v14 =	vld.idx.msk [tilespmem:v18+s14+$0x0], $0xffff  }
0xb1: {  	v15 =	vmul.f32 v16, v23;
	v12 =	vld.idx.msk [tilespmem:v12+s2+$0x0], $0xffff  }
0xb2: {  	v16 =	vld.idx.msk [tilespmem:v19+s14+$0x0], $0xffff  }
0xb3: {  	v13 =	vmul.f32 v17, v13;
	v18 =	vld.idx.msk [tilespmem:v31+s2+$0x0], $0xffff  }
0xb4: {  	v17 =	vld.idx.msk [tilespmem:v29+s14+$0x0], $0xffff  }
0xb5: {  	v19 =	vld.idx.msk [tilespmem:v21+s2+$0x0], $0xffff  }
0xb6: {  	v14 =	vmul.f32 v14, v26;
	v21 =	vld.idx.msk [tilespmem:v22+s14+$0x0], $0xffff  }
0xb7: {  	v22 =	vld.idx.msk [tilespmem:v27+s2+$0x0], $0xffff  }
0xb8: {  	v12 =	vmul.f32 v16, v12;
	v16 =	vld.idx.msk [tilespmem:v24+s14+$0x0], $0xffff  }
0xb9: {  	v23 =	vld.idx.msk [tilespmem:v30+s2+$0x0], $0xffff  }
0xba: {  	v17 =	vmul.f32 v17, v18;
	v18 =	vld.idx.msk [tilespmem:v25+s14+$0x0], $0xffff  }
0xbb: {  	v20 =	vld.idx.msk [tilespmem:v20+s2+$0x0], $0xffff  }
0xbc: {  	v19 =	vmul.f32 v21, v19;
	v21 =	vld.idx.msk [tilespmem:v28+s14+$0x0], $0xffff  }
0xbd: {  	v24 =	vld [tilespmem:s24+$0xFFFFFF70]  }
0xbe: {  	v16 =	vmul.f32 v16, v22;
	v25 =	vld [tilespmem:s24+$0xFFFFFF80]  }
0xbf: {  	v22 =	vld [tilespmem:s24+$0xFFFFFF90]  }
0xc0: {  	v26 =	vand.u32 $0xFFFF, v7;
	v18 =	vmul.f32 v18, v23;
	v27 =	vld [tilespmem:s24+$0xFFFFFFA0]  }
0xc1: {  	v28 =	vand.u32 $0xFFFF, v2;
	v23 =	vand.u32 $0xFFFF, v1;
	v29 =	vld [tilespmem:s24+$0xFFFFFFB0]  }
0xc2: {  	v20 =	vmul.f32 v21, v20;
	v30 =	vand.u32 $0xFFFF, v24;
	v24 =	vshrl.u32 v24, $0x10;
	v31 =	vld [tilespmem:s24+$0xFFFFFFC0]  }
0xc3: {  	v32 =	vand.u32 $0xFFFF, v8;
	v21 =	vand.u32 $0xFFFF, v25;
	v25 =	vshrl.u32 v25, $0x10;
	v33 =	vld [tilespmem:s24+$0xFFFFFFE0]  }
0xc4: {  	v35 =	vand.u32 $0xFFFF, v9;
	v34 =	vand.u32 $0xFFFF, v22;
	v22 =	vshrl.u32 v22, $0x10;
	v36 =	vld [tilespmem:s24+$0x0]  }
0xc5: {  	[tilespmem:v26+s18+$0x0] =	vst.idx.add.f32.msk $0xffff, v17;
	v17 =	vand.u32 $0xFFFF, v27;
	v26 =	vshrl.u32 v27, $0x10;
	v27 =	vand.u32 $0xFFFF, v5  }
0xc6: {  	[tilespmem:v23+s18+$0x0] =	vst.idx.add.f32.msk $0xffff, v15;
	v15 =	vand.u32 $0xFFFF, v29;
	v23 =	vshrl.u32 v29, $0x10;
	v29 =	vand.u32 $0xFFFF, v3  }
0xc7: {  	[tilespmem:v28+s18+$0x0] =	vst.idx.add.f32.msk $0xffff, v13;
	v13 =	vand.u32 $0xFFFF, v31;
	v28 =	vshrl.u32 v31, $0x10;
	v31 =	vand.u32 $0xFFFF, v6  }
0xc8: {  	[tilespmem:v32+s18+$0x0] =	vst.idx.add.f32.msk $0xffff, v14;
	v14 =	vand.u32 $0xFFFF, v33;
	v32 =	vshrl.u32 v33, $0x10;
	v33 =	vand.u32 $0xFFFF, v4  }
0xc9: {  	[tilespmem:v35+s18+$0x0] =	vst.idx.add.f32.msk $0xffff, v12;
	v12 =	vand.u32 $0xFFFF, v36;
	v35 =	vshrl.u32 v36, $0x10  }
0xca: {  	[tilespmem:v27+s18+$0x0] =	vst.idx.add.f32.msk $0xffff, v19  }
0xcb: {  	[tilespmem:v29+s18+$0x0] =	vst.idx.add.f32.msk $0xffff, v16  }
0xcc: {  	[tilespmem:v31+s18+$0x0] =	vst.idx.add.f32.msk $0xffff, v18  }
0xcd: {  	[tilespmem:v33+s18+$0x0] =	vst.idx.add.f32.msk $0xffff, v20  }
0xce: {  	v16 =	vld.idx.msk [tilespmem:v30+s2+$0x0], $0xffff  }
0xcf: {  	v18 =	vld.idx.msk [tilespmem:v24+s14+$0x0], $0xffff  }
0xd0: {  	v19 =	vld.idx.msk [tilespmem:v21+s2+$0x0], $0xffff  }
0xd1: {  	v20 =	vld.idx.msk [tilespmem:v25+s14+$0x0], $0xffff  }
0xd2: {  	v21 =	vld.idx.msk [tilespmem:v34+s2+$0x0], $0xffff  }
0xd3: {  	v22 =	vld.idx.msk [tilespmem:v22+s14+$0x0], $0xffff  }
0xd4: {  	v17 =	vld.idx.msk [tilespmem:v17+s2+$0x0], $0xffff  }
0xd5: {  	v16 =	vmul.f32 v18, v16;
	v18 =	vld.idx.msk [tilespmem:v26+s14+$0x0], $0xffff  }
0xd6: {  	v15 =	vld.idx.msk [tilespmem:v15+s2+$0x0], $0xffff  }
0xd7: {  	v19 =	vmul.f32 v20, v19;
	v20 =	vld.idx.msk [tilespmem:v23+s14+$0x0], $0xffff  }
0xd8: {  	v13 =	vld.idx.msk [tilespmem:v13+s2+$0x0], $0xffff  }
0xd9: {  	v21 =	vmul.f32 v22, v21;
	v22 =	vld.idx.msk [tilespmem:v28+s14+$0x0], $0xffff  }
0xda: {  	v11 =	vld.idx.msk [tilespmem:v11+s2+$0x0], $0xffff  }
0xdb: {  	v7 =	vshrl.u32 v7, $0x10;
	v17 =	vmul.f32 v18, v17;
	v10 =	vld.idx.msk [tilespmem:v10+s14+$0x0], $0xffff  }
0xdc: {  	v1 =	vshrl.u32 v1, $0x10;
	v14 =	vld.idx.msk [tilespmem:v14+s2+$0x0], $0xffff  }
0xdd: {  	v2 =	vshrl.u32 v2, $0x10;
	v15 =	vmul.f32 v20, v15;
	v18 =	vld.idx.msk [tilespmem:v32+s14+$0x0], $0xffff  }
0xde: {  	v8 =	vshrl.u32 v8, $0x10;
	v12 =	vld.idx.msk [tilespmem:v12+s2+$0x0], $0xffff  }
0xdf: {  	v9 =	vshrl.u32 v9, $0x10;
	v13 =	vmul.f32 v22, v13;
	v20 =	vld.idx.msk [tilespmem:v35+s14+$0x0], $0xffff  }
0xe0: {  	v5 =	vshrl.u32 v5, $0x10;
	[tilespmem:v7+s18+$0x0] =	vst.idx.add.f32.msk $0xffff, v16  }
0xe1: {  	[tilespmem:v1+s18+$0x0] =	vst.idx.add.f32.msk $0xffff, v19;
	v1 =	vshrl.u32 v3, $0x10;
	v3 =	vmul.f32 v10, v11  }
0xe2: {  	[tilespmem:v2+s18+$0x0] =	vst.idx.add.f32.msk $0xffff, v21;
	v2 =	vshrl.u32 v6, $0x10  }
0xe3: {  	v4 =	vshrl.u32 v4, $0x10;
	v6 =	vmul.f32 v18, v14;
	[tilespmem:v8+s18+$0x0] =	vst.idx.add.f32.msk $0xffff, v17  }
.Ltmp1:
0xe4: {  	[tilespmem:v9+s18+$0x0] =	vst.idx.add.f32.msk $0xffff, v15;
	(pc) =	sbr.rel @p0 .LBB2_5-.Ltmp1, $4  }
0xe5: {  	[tilespmem:v5+s18+$0x0] =	vst.idx.add.f32.msk $0xffff, v13;
	v5 =	vmul.f32 v20, v12  }
0xe6: {  	[tilespmem:v1+s18+$0x0] =	vst.idx.add.f32.msk $0xffff, v3  }
0xe7: {  	[tilespmem:v2+s18+$0x0] =	vst.idx.add.f32.msk $0xffff, v6  }
0xe8: {  	s28 =	sadd.s32 $0xA0, s28;
	[tilespmem:v4+s18+$0x0] =	vst.idx.add.f32.msk $0xffff, v5  }
0xe9: {  	s24 =	smin.u32 s25, $0x60  }
0xea: {  	s24 =	sadd.s32 $0x2, s24  }
0xeb: {  	s30 =	smul.u32 $0x3E8, s24;
	_ =	sdelay $0x1  }
0xec: {  	s26 =	simm.s32 $0x0;
	s24 =	smul.u32 $0x1F4, s24;
	s25 =	sadd.s32 s3, s30  }
0xed: {  	[tilespmem:s11], [sflag:$0x1] =	stream.linear.gather [hbm4b:s25+s26], $0x1F40, $0x38;
	[tilespmem:$0x1E700] =	vst v63  }
0xee: {  	s24 =	sadd.s32 s4, s24  }
0xef: {  	[tilespmem:s12], [sflag:$0x1] =	stream.linear.gather [hbm4b:s24+s26], $0xFA0, $0x38;
	[tilespmem:$0x1E700] =	vst v63  }
0xf0: {  	_ =	swait.ge [sflag:s19], $0x1F40  }
0xf1: {  	[sflag:s19] =	ssyncset.done $0x0  }
0xf2: {  	[sflag:s19] =	ssyncadd.s32 $0xFFFFE0C0  }
0xf3: {  	_ =	swait.ge [sflag:s19], $0xFA0  }
0xf4: {  	[sflag:s19] =	ssyncset.done $0x0  }
0xf5: {  	s31 =	sand.u32 $0xFE0, s26;
	[sflag:s19] =	ssyncadd.s32 $0xFFFFF060  }
0xf6: {  	v2 =	vld [tilespmem:s31+$0x1A880]  }
0xf7: {  	v1 =	vld [tilespmem:s31+$0x1D780]  }
0xf8: {  	s24 =	simm.s32 $0x1B870;
	v4 =	vld [tilespmem:s31+$0x1B800]  }
0xf9: {  	s25 =	simm.s32 $0x1D7B0;
	v5 =	vld [tilespmem:s24+$0xFFFFFFB0]  }
0xfa: {  	v6 =	vld [tilespmem:s25+$0xFFFFFFB0]  }
0xfb: {  	v7 =	vld [tilespmem:s24+$0xFFFFEFE0]  }
0xfc: {  	v8 =	vld [tilespmem:s24+$0xFFFFEFF0]  }
0xfd: {  	v9 =	vld [tilespmem:s24+$0xFFFFF000]  }
0xfe: {  	v12 =	vld [tilespmem:s24+$0xFFFFF020]  }
0xff: {  	v13 =	vld [tilespmem:s24+$0xFFFFF030]  }
0x100: {  	v14 =	vld [tilespmem:s24+$0xFFFFF050]  }
0x101: {  	v17 =	vld [tilespmem:s24+$0xFFFFEFD0]  }
0x102: {  	v21 =	vld [tilespmem:s25+$0xFFFFFF70]  }
0x103: {  	v22 =	vld [tilespmem:s25+$0xFFFFFF80]  }
0x104: {  	v23 =	vld [tilespmem:s25+$0xFFFFFF90]  }
0x105: {  	v24 =	vld [tilespmem:s25+$0xFFFFFFA0]  }
0x106: {  	v25 =	vld [tilespmem:s25+$0xFFFFFFC0]  }
0x107: {  	v26 =	vld [tilespmem:s25+$0xFFFFFFE0]  }
0x108: {  	v27 =	vld [tilespmem:s25+$0xFFFFFFF0]  }
0x109: {  	v28 =	vld [tilespmem:s25+$0x0]  }
0x10a: {  	v29 =	vld [tilespmem:s24+$0xFFFFFF70];
	v3 =	vand.u32 $0xFFFF, v2  }
0x10b: {  	v30 =	vld [tilespmem:s24+$0xFFFFFF80];
	v2 =	vshrl.u32 v2, $0x10  }
0x10c: {  	v31 =	vld [tilespmem:s24+$0xFFFFFFA0]  }
0x10d: {  	v33 =	vld [tilespmem:s24+$0xFFFFFFC0]  }
0x10e: {  	v35 =	vld [tilespmem:s24+$0xFFFFFFD0];
	v15 =	vand.u32 $0xFFFF, v7  }
0x10f: {  	v16 =	vand.u32 $0xFFFF, v9;
	v3 =	vld.idx.msk [tilespmem:v3+s2+$0x0], $0xffff  }
0x110: {  	v18 =	vand.u32 $0xFFFF, v12;
	v12 =	vshrl.u32 v12, $0x10;
	v2 =	vld.idx.msk [tilespmem:v2+s14+$0x0], $0xffff  }
0x111: {  	v37 =	vld [tilespmem:s24+$0xFFFFFFE0]  }
0x112: {  	v38 =	vld [tilespmem:s24+$0xFFFFFFF0];
	v10 =	vand.u32 $0xFFFF, v6  }
0x113: {  	v11 =	vand.u32 $0xFFFF, v5;
	v15 =	vld.idx.msk [tilespmem:v15+s2+$0x0], $0xffff  }
0x114: {  	v5 =	vshrl.u32 v5, $0x10;
	v16 =	vld.idx.msk [tilespmem:v16+s2+$0x0], $0xffff  }
0x115: {  	v19 =	vand.u32 $0xFFFF, v14;
	v12 =	vld.idx.msk [tilespmem:v12+s14+$0x0], $0xffff;
	v2 =	vmul.f32 v2, v3  }
0x116: {  	v14 =	vshrl.u32 v14, $0x10;
	v3 =	vld [tilespmem:s24+$0xFFFFF040]  }
0x117: {  	[tilespmem:v10+s18+$0x0] =	vst.idx.add.f32.msk $0xffff, v2  }
0x118: {  	v2 =	vshrl.u32 v7, $0x10;
	v7 =	vld.idx.msk [tilespmem:v11+s2+$0x0], $0xffff  }
0x119: {  	v10 =	vand.u32 $0xFFFF, v8;
	v5 =	vld.idx.msk [tilespmem:v5+s14+$0x0], $0xffff  }
0x11a: {  	v19 =	vld.idx.msk [tilespmem:v19+s2+$0x0], $0xffff;
	v8 =	vshrl.u32 v8, $0x10  }
0x11b: {  	v6 =	vshrl.u32 v6, $0x10;
	v14 =	vld.idx.msk [tilespmem:v14+s14+$0x0], $0xffff  }
0x11c: {  	v9 =	vshrl.u32 v9, $0x10;
	v11 =	vld [tilespmem:s24+$0xFFFFF060]  }
0x11d: {  	v2 =	vld.idx.msk [tilespmem:v2+s14+$0x0], $0xffff  }
0x11e: {  	v52 =	vand.u32 $0xFFFF, v3;
	v10 =	vld.idx.msk [tilespmem:v10+s2+$0x0], $0xffff;
	v5 =	vmul.f32 v5, v7  }
0x11f: {  	v3 =	vshrl.u32 v3, $0x10;
	v8 =	vld.idx.msk [tilespmem:v8+s14+$0x0], $0xffff  }
0x120: {  	v7 =	vand.u32 $0xFFFF, v17;
	[tilespmem:v6+s18+$0x0] =	vst.idx.add.f32.msk $0xffff, v5  }
0x121: {  	v17 =	vshrl.u32 v17, $0x10;
	v6 =	vld.idx.msk [tilespmem:v9+s14+$0x0], $0xffff  }
0x122: {  	v20 =	vand.u32 $0xFFFF, v11;
	v5 =	vand.u32 $0xFFFF, v13;
	v9 =	vshrl.u32 v13, $0x10;
	v13 =	vld.idx.msk [tilespmem:v18+s2+$0x0], $0xffff  }
0x123: {  	v11 =	vshrl.u32 v11, $0x10;
	v18 =	vld.idx.msk [tilespmem:v52+s2+$0x0], $0xffff  }
0x124: {  	v3 =	vld.idx.msk [tilespmem:v3+s14+$0x0], $0xffff  }
0x125: {  	v7 =	vld.idx.msk [tilespmem:v7+s2+$0x0], $0xffff  }
0x126: {  	v34 =	vand.u32 $0xFFFF, v22;
	v17 =	vld.idx.msk [tilespmem:v17+s14+$0x0], $0xffff  }
0x127: {  	v36 =	vand.u32 $0xFFFF, v23;
	v20 =	vld.idx.msk [tilespmem:v20+s2+$0x0], $0xffff  }
0x128: {  	v2 =	vmul.f32 v2, v15;
	v15 =	vand.u32 $0xFFFF, v25;
	v11 =	vld.idx.msk [tilespmem:v11+s14+$0x0], $0xffff  }
0x129: {  	v53 =	vand.u32 $0xFFFF, v24;
	v5 =	vld.idx.msk [tilespmem:v5+s2+$0x0], $0xffff  }
0x12a: {  	v8 =	vmul.f32 v8, v10;
	v10 =	vand.u32 $0xFFFF, v27;
	v9 =	vld.idx.msk [tilespmem:v9+s14+$0x0], $0xffff  }
0x12b: {  	v32 =	vand.u32 $0xFFFF, v21;
	[tilespmem:v34+s18+$0x0] =	vst.idx.add.f32.msk $0xffff, v2;
	v2 =	vmul.f32 v12, v13  }
0x12c: {  	v40 =	vand.u32 $0xFFFF, v1;
	[tilespmem:v36+s18+$0x0] =	vst.idx.add.f32.msk $0xffff, v8;
	v6 =	vmul.f32 v6, v16  }
0x12d: {  	[tilespmem:v15+s18+$0x0] =	vst.idx.add.f32.msk $0xffff, v2;
	v2 =	vmul.f32 v14, v19  }
0x12e: {  	v8 =	vand.u32 $0xFFFF, v28;
	[tilespmem:v53+s18+$0x0] =	vst.idx.add.f32.msk $0xffff, v6;
	v7 =	vmul.f32 v17, v7  }
0x12f: {  	v6 =	vand.u32 $0xFFFF, v29;
	[tilespmem:v10+s18+$0x0] =	vst.idx.add.f32.msk $0xffff, v2;
	v5 =	vmul.f32 v9, v5  }
0x130: {  	v2 =	vand.u32 $0xFFFF, v4;
	[tilespmem:v32+s18+$0x0] =	vst.idx.add.f32.msk $0xffff, v7  }
0x131: {  	v7 =	vand.u32 $0xFFFF, v26;
	[tilespmem:v40+s18+$0x0] =	vst.idx.add.f32.msk $0xffff, v5;
	v5 =	vmul.f32 v11, v20  }
0x132: {  	v39 =	vld [tilespmem:s24+$0x0];
	v4 =	vshrl.u32 v4, $0x10  }
0x133: {  	v9 =	vshrl.u32 v29, $0x10;
	[tilespmem:v8+s18+$0x0] =	vst.idx.add.f32.msk $0xffff, v5  }
0x134: {  	v3 =	vmul.f32 v3, v18;
	v11 =	vand.u32 $0xFFFF, v30;
	v5 =	vld.idx.msk [tilespmem:v6+s2+$0x0], $0xffff  }
0x135: {  	v6 =	vand.u32 $0xFFFF, v31;
	v12 =	vld.idx.msk [tilespmem:v2+s2+$0x0], $0xffff  }
0x136: {  	[tilespmem:v7+s18+$0x0] =	vst.idx.add.f32.msk $0xffff, v3;
	v3 =	vshrl.u32 v30, $0x10  }
0x137: {  	v8 =	vshrl.u32 v31, $0x10;
	v13 =	vld.idx.msk [tilespmem:v4+s14+$0x0], $0xffff  }
0x138: {  	v2 =	vand.u32 $0xFFFF, v35;
	v7 =	vld.idx.msk [tilespmem:v9+s14+$0x0], $0xffff  }
0x139: {  	v4 =	vshrl.u32 v35, $0x10;
	v10 =	vld.idx.msk [tilespmem:v11+s2+$0x0], $0xffff  }
0x13a: {  	v9 =	vand.u32 $0xFFFF, v33;
	v14 =	vld.idx.msk [tilespmem:v6+s2+$0x0], $0xffff  }
0x13b: {  	v11 =	vld.idx.msk [tilespmem:v3+s14+$0x0], $0xffff;
	v3 =	vshrl.u32 v33, $0x10  }
0x13c: {  	v23 =	vshrl.u32 v23, $0x10;
	v15 =	vld.idx.msk [tilespmem:v8+s14+$0x0], $0xffff  }
0x13d: {  	v6 =	vand.u32 $0xFFFF, v37;
	v56 =	vld.idx.msk [tilespmem:v2+s2+$0x0], $0xffff  }
0x13e: {  	v8 =	vshrl.u32 v37, $0x10;
	v58 =	vld.idx.msk [tilespmem:v4+s14+$0x0], $0xffff  }
0x13f: {  	v63 =	vmul.f32 v13, v12;
	v54 =	vld.idx.msk [tilespmem:v9+s2+$0x0], $0xffff;
	v9 =	vand.u32 $0xFFFF, v38  }
0x140: {  	v55 =	vld.idx.msk [tilespmem:v3+s14+$0x0], $0xffff;
	v3 =	vshrl.u32 v38, $0x10  }
0x141: {  	v59 =	vshrl.u32 v39, $0x10;
	[tilespmem:v23+s18+$0x0] =	vst.idx.add.f32.msk $0xffff, v63  }
0x142: {  	v57 =	vand.u32 $0xFFFF, v39;
	v60 =	vld.idx.msk [tilespmem:v6+s2+$0x0], $0xffff  }
0x143: {  	v6 =	vshrl.u32 v21, $0x10;
	v61 =	vld.idx.msk [tilespmem:v8+s14+$0x0], $0xffff  }
0x144: {  	v22 =	vshrl.u32 v22, $0x10;
	v2 =	vld.idx.msk [tilespmem:v9+s2+$0x0], $0xffff  }
0x145: {  	v9 =	vshrl.u32 v24, $0x10;
	v4 =	vld.idx.msk [tilespmem:v3+s14+$0x0], $0xffff  }
0x146: {  	v7 =	vmul.f32 v7, v5;
	v62 =	vmul.f32 v11, v10;
	v11 =	vld.idx.msk [tilespmem:v59+s14+$0x0], $0xffff  }
0x147: {  	v1 =	vshrl.u32 v1, $0x10;
	v5 =	vshrl.u32 v26, $0x10;
	v8 =	vshrl.u32 v25, $0x10;
	v3 =	vld.idx.msk [tilespmem:v57+s2+$0x0], $0xffff  }
0x148: {  	v13 =	vmul.f32 v15, v14;
	v12 =	vmul.f32 v58, v56;
	[tilespmem:v6+s18+$0x0] =	vst.idx.add.f32.msk $0xffff, v7;
	v6 =	vshrl.u32 v27, $0x10  }
0x149: {  	s28 =	simm.s32 $0xA0;
	s26 =	simm.s32 $0x0;
	[tilespmem:v22+s18+$0x0] =	vst.idx.add.f32.msk $0xffff, v62;
	v7 =	vshrl.u32 v28, $0x10;
	v14 =	vmul.f32 v61, v60;
	v10 =	vmul.f32 v55, v54  }
.LBB2_7:
0x14a: {  	s29 =	sand.u32 $0xFE0, s28;
	[tilespmem:v9+s18+$0x0] =	vst.idx.add.f32.msk $0xffff, v13;
	v2 =	vmul.f32 v4, v2  }
0x14b: {  	v4 =	vld [tilespmem:s29+$0x1A880]  }
0x14c: {  	s26 =	sadd.s32 $0xA, s26;
	v11 =	vmul.f32 v11, v3;
	v9 =	vld [tilespmem:s29+$0x1D780]  }
0x14d: {  	p0 =	slt.u32 s26, $0xF0;
	v13 =	vld [tilespmem:s29+$0x1B800]  }
0x14e: {  	[tilespmem:v8+s18+$0x0] =	vst.idx.add.f32.msk $0xffff, v10  }
0x14f: {  	[tilespmem:v1+s18+$0x0] =	vst.idx.add.f32.msk $0xffff, v12  }
0x150: {  	v8 =	vand.u32 $0xFFFF, v4;
	[tilespmem:v5+s18+$0x0] =	vst.idx.add.f32.msk $0xffff, v14  }
0x151: {  	v5 =	vshrl.u32 v4, $0x10;
	v4 =	vand.u32 $0xFFFF, v9;
	v1 =	vshrl.u32 v9, $0x10;
	[tilespmem:v6+s18+$0x0] =	vst.idx.add.f32.msk $0xffff, v2  }
0x152: {  	s24 =	sadd.s32 $0xA0, s24;
	v3 =	vand.u32 $0xFFFF, v13;
	v2 =	vshrl.u32 v13, $0x10;
	[tilespmem:v7+s18+$0x0] =	vst.idx.add.f32.msk $0xffff, v11  }
0x153: {  	s25 =	sadd.s32 $0xA0, s25;
	v6 =	vld [tilespmem:s24+$0xFFFFFFB0]  }
0x154: {  	v7 =	vld [tilespmem:s25+$0xFFFFFFB0]  }
0x155: {  	v8 =	vld.idx.msk [tilespmem:v8+s2+$0x0], $0xffff  }
0x156: {  	v5 =	vld.idx.msk [tilespmem:v5+s14+$0x0], $0xffff  }
0x157: {  	v9 =	vld [tilespmem:s24+$0xFFFFEFE0]  }
0x158: {  	v10 =	vld [tilespmem:s24+$0xFFFFEFF0]  }
0x159: {  	v11 =	vld [tilespmem:s24+$0xFFFFF000];
	v12 =	vand.u32 $0xFFFF, v7  }
0x15a: {  	v13 =	vand.u32 $0xFFFF, v6;
	v14 =	vld [tilespmem:s24+$0xFFFFF020]  }
0x15b: {  	v6 =	vshrl.u32 v6, $0x10;
	v15 =	vld [tilespmem:s24+$0xFFFFF030]  }
0x15c: {  	v5 =	vmul.f32 v5, v8;
	v16 =	vand.u32 $0xFFFF, v9;
	v9 =	vshrl.u32 v9, $0x10;
	v8 =	vld [tilespmem:s24+$0xFFFFF040]  }
0x15d: {  	v17 =	vand.u32 $0xFFFF, v10;
	v10 =	vshrl.u32 v10, $0x10;
	v18 =	vld [tilespmem:s24+$0xFFFFF050]  }
0x15e: {  	v19 =	vand.u32 $0xFFFF, v11;
	v11 =	vshrl.u32 v11, $0x10;
	[tilespmem:v12+s18+$0x0] =	vst.idx.add.f32.msk $0xffff, v5  }
0x15f: {  	v5 =	vld.idx.msk [tilespmem:v13+s2+$0x0], $0xffff;
	v12 =	vand.u32 $0xFFFF, v14;
	v13 =	vshrl.u32 v14, $0x10  }
0x160: {  	v6 =	vld.idx.msk [tilespmem:v6+s14+$0x0], $0xffff;
	v14 =	vand.u32 $0xFFFF, v15;
	v15 =	vshrl.u32 v15, $0x10  }
0x161: {  	v20 =	vand.u32 $0xFFFF, v8;
	v8 =	vshrl.u32 v8, $0x10;
	v21 =	vld [tilespmem:s24+$0xFFFFF060]  }
0x162: {  	v22 =	vld [tilespmem:s24+$0xFFFFEFD0];
	v23 =	vand.u32 $0xFFFF, v18;
	v18 =	vshrl.u32 v18, $0x10  }
0x163: {  	v7 =	vshrl.u32 v7, $0x10;
	v16 =	vld.idx.msk [tilespmem:v16+s2+$0x0], $0xffff  }
0x164: {  	v9 =	vld.idx.msk [tilespmem:v9+s14+$0x0], $0xffff  }
0x165: {  	v17 =	vld.idx.msk [tilespmem:v17+s2+$0x0], $0xffff  }
0x166: {  	v5 =	vmul.f32 v6, v5;
	v10 =	vld.idx.msk [tilespmem:v10+s14+$0x0], $0xffff;
	v6 =	vand.u32 $0xFFFF, v21;
	v21 =	vshrl.u32 v21, $0x10  }
0x167: {  	v24 =	vand.u32 $0xFFFF, v22;
	v22 =	vshrl.u32 v22, $0x10;
	v19 =	vld.idx.msk [tilespmem:v19+s2+$0x0], $0xffff  }
0x168: {  	[tilespmem:v7+s18+$0x0] =	vst.idx.add.f32.msk $0xffff, v5  }
0x169: {  	v5 =	vld.idx.msk [tilespmem:v11+s14+$0x0], $0xffff  }
0x16a: {  	v11 =	vmul.f32 v9, v16;
	v7 =	vld.idx.msk [tilespmem:v12+s2+$0x0], $0xffff  }
0x16b: {  	v9 =	vld.idx.msk [tilespmem:v13+s14+$0x0], $0xffff  }
0x16c: {  	v10 =	vmul.f32 v10, v17;
	v12 =	vld.idx.msk [tilespmem:v24+s2+$0x0], $0xffff  }
0x16d: {  	v13 =	vld.idx.msk [tilespmem:v22+s14+$0x0], $0xffff  }
0x16e: {  	v14 =	vld.idx.msk [tilespmem:v14+s2+$0x0], $0xffff  }
0x16f: {  	v16 =	vmul.f32 v5, v19;
	v5 =	vld.idx.msk [tilespmem:v15+s14+$0x0], $0xffff  }
0x170: {  	v15 =	vld.idx.msk [tilespmem:v20+s2+$0x0], $0xffff  }
0x171: {  	v17 =	vmul.f32 v9, v7;
	v7 =	vld.idx.msk [tilespmem:v8+s14+$0x0], $0xffff  }
0x172: {  	v8 =	vld.idx.msk [tilespmem:v23+s2+$0x0], $0xffff  }
0x173: {  	v12 =	vmul.f32 v13, v12;
	v9 =	vld.idx.msk [tilespmem:v18+s14+$0x0], $0xffff  }
0x174: {  	v6 =	vld.idx.msk [tilespmem:v6+s2+$0x0], $0xffff  }
0x175: {  	v13 =	vmul.f32 v5, v14;
	v5 =	vld.idx.msk [tilespmem:v21+s14+$0x0], $0xffff  }
0x176: {  	v14 =	vld [tilespmem:s25+$0xFFFFFF70]  }
0x177: {  	v15 =	vmul.f32 v7, v15;
	v18 =	vld [tilespmem:s25+$0xFFFFFF80]  }
0x178: {  	v7 =	vld [tilespmem:s25+$0xFFFFFF90]  }
0x179: {  	v20 =	vmul.f32 v9, v8;
	v19 =	vld [tilespmem:s25+$0xFFFFFFA0]  }
0x17a: {  	v8 =	vld [tilespmem:s25+$0xFFFFFFC0]  }
0x17b: {  	v23 =	vmul.f32 v5, v6;
	v21 =	vand.u32 $0xFFFF, v14;
	v14 =	vshrl.u32 v14, $0x10;
	v22 =	vld [tilespmem:s25+$0xFFFFFFE0]  }
0x17c: {  	v24 =	vand.u32 $0xFFFF, v18;
	v18 =	vshrl.u32 v18, $0x10;
	v6 =	vld [tilespmem:s25+$0xFFFFFFF0]  }
0x17d: {  	v25 =	vand.u32 $0xFFFF, v7;
	v26 =	vshrl.u32 v7, $0x10;
	v7 =	vld [tilespmem:s25+$0x0]  }
0x17e: {  	v27 =	vld [tilespmem:s24+$0xFFFFFF70];
	v28 =	vand.u32 $0xFFFF, v19;
	v9 =	vshrl.u32 v19, $0x10  }
0x17f: {  	v19 =	vld [tilespmem:s24+$0xFFFFFF80];
	v29 =	vand.u32 $0xFFFF, v8;
	v8 =	vshrl.u32 v8, $0x10  }
0x180: {  	v30 =	vld [tilespmem:s24+$0xFFFFFFA0];
	v31 =	vand.u32 $0xFFFF, v22;
	v5 =	vshrl.u32 v22, $0x10  }
0x181: {  	v22 =	vld [tilespmem:s24+$0xFFFFFFC0];
	v32 =	vand.u32 $0xFFFF, v6;
	v6 =	vshrl.u32 v6, $0x10  }
0x182: {  	v33 =	vld [tilespmem:s24+$0xFFFFFFD0];
	v34 =	vand.u32 $0xFFFF, v7;
	v7 =	vshrl.u32 v7, $0x10  }
0x183: {  	v35 =	vand.u32 $0xFFFF, v27;
	v27 =	vshrl.u32 v27, $0x10;
	v36 =	vld [tilespmem:s24+$0xFFFFFFE0]  }
0x184: {  	v37 =	vand.u32 $0xFFFF, v19;
	v19 =	vshrl.u32 v19, $0x10;
	v38 =	vld [tilespmem:s24+$0xFFFFFFF0]  }
0x185: {  	v39 =	vand.u32 $0xFFFF, v30;
	v30 =	vshrl.u32 v30, $0x10;
	v40 =	vld [tilespmem:s24+$0x0]  }
0x186: {  	[tilespmem:v21+s18+$0x0] =	vst.idx.add.f32.msk $0xffff, v12;
	v12 =	vand.u32 $0xFFFF, v22;
	v21 =	vshrl.u32 v22, $0x10  }
0x187: {  	[tilespmem:v24+s18+$0x0] =	vst.idx.add.f32.msk $0xffff, v11;
	v11 =	vand.u32 $0xFFFF, v33;
	v22 =	vshrl.u32 v33, $0x10  }
0x188: {  	[tilespmem:v25+s18+$0x0] =	vst.idx.add.f32.msk $0xffff, v10;
	v10 =	vand.u32 $0xFFFF, v36;
	v24 =	vshrl.u32 v36, $0x10  }
0x189: {  	[tilespmem:v28+s18+$0x0] =	vst.idx.add.f32.msk $0xffff, v16;
	v16 =	vand.u32 $0xFFFF, v38;
	v25 =	vshrl.u32 v38, $0x10  }
0x18a: {  	[tilespmem:v29+s18+$0x0] =	vst.idx.add.f32.msk $0xffff, v17;
	v17 =	vand.u32 $0xFFFF, v40;
	v28 =	vshrl.u32 v40, $0x10  }
0x18b: {  	[tilespmem:v4+s18+$0x0] =	vst.idx.add.f32.msk $0xffff, v13  }
0x18c: {  	[tilespmem:v31+s18+$0x0] =	vst.idx.add.f32.msk $0xffff, v15  }
0x18d: {  	[tilespmem:v32+s18+$0x0] =	vst.idx.add.f32.msk $0xffff, v20  }
0x18e: {  	[tilespmem:v34+s18+$0x0] =	vst.idx.add.f32.msk $0xffff, v23  }
0x18f: {  	v4 =	vld.idx.msk [tilespmem:v35+s2+$0x0], $0xffff  }
0x190: {  	v13 =	vld.idx.msk [tilespmem:v27+s14+$0x0], $0xffff  }
0x191: {  	v15 =	vld.idx.msk [tilespmem:v37+s2+$0x0], $0xffff  }
0x192: {  	v19 =	vld.idx.msk [tilespmem:v19+s14+$0x0], $0xffff  }
0x193: {  	v3 =	vld.idx.msk [tilespmem:v3+s2+$0x0], $0xffff  }
0x194: {  	v2 =	vld.idx.msk [tilespmem:v2+s14+$0x0], $0xffff  }
0x195: {  	v20 =	vld.idx.msk [tilespmem:v39+s2+$0x0], $0xffff  }
0x196: {  	v23 =	vmul.f32 v13, v4;
	v4 =	vld.idx.msk [tilespmem:v30+s14+$0x0], $0xffff  }
0x197: {  	v12 =	vld.idx.msk [tilespmem:v12+s2+$0x0], $0xffff  }
0x198: {  	v15 =	vmul.f32 v19, v15;
	v19 =	vld.idx.msk [tilespmem:v21+s14+$0x0], $0xffff  }
0x199: {  	v11 =	vld.idx.msk [tilespmem:v11+s2+$0x0], $0xffff  }
0x19a: {  	v21 =	vmul.f32 v2, v3;
	v22 =	vld.idx.msk [tilespmem:v22+s14+$0x0], $0xffff  }
0x19b: {  	v27 =	vld.idx.msk [tilespmem:v10+s2+$0x0], $0xffff  }
0x19c: {  	v13 =	vmul.f32 v4, v20;
	v20 =	vld.idx.msk [tilespmem:v24+s14+$0x0], $0xffff  }
0x19d: {  	v2 =	vld.idx.msk [tilespmem:v16+s2+$0x0], $0xffff  }
0x19e: {  	v10 =	vmul.f32 v19, v12;
	v4 =	vld.idx.msk [tilespmem:v25+s14+$0x0], $0xffff  }
.Ltmp2:
0x19f: {  	v3 =	vld.idx.msk [tilespmem:v17+s2+$0x0], $0xffff;
	(pc) =	sbr.rel @p0 .LBB2_7-.Ltmp2, $4  }
0x1a0: {  	v12 =	vmul.f32 v22, v11;
	v11 =	vld.idx.msk [tilespmem:v28+s14+$0x0], $0xffff  }
0x1a1: {  	[tilespmem:v14+s18+$0x0] =	vst.idx.add.f32.msk $0xffff, v23  }
0x1a2: {  	v14 =	vmul.f32 v20, v27;
	[tilespmem:v18+s18+$0x0] =	vst.idx.add.f32.msk $0xffff, v15  }
0x1a3: {  	s28 =	sadd.s32 $0xA0, s28;
	[tilespmem:v26+s18+$0x0] =	vst.idx.add.f32.msk $0xffff, v21  }
0x1a4: {  	_ =	sdelay $0x2  }
0x1a5: {  	s23 =	sadd.s32 $0x1, s23  }
0x1a6: {  	[tilespmem:v9+s18+$0x0] =	vst.idx.add.f32.msk $0xffff, v13;
	p0 =	sne.s32 s23, $0x32  }
.Ltmp3:
0x1a7: {  	[tilespmem:v8+s18+$0x0] =	vst.idx.add.f32.msk $0xffff, v10;
	(pc) =	sbr.rel @p0 .LBB2_4-.Ltmp3, $4  }
0x1a8: {  	v2 =	vmul.f32 v4, v2;
	[tilespmem:v1+s18+$0x0] =	vst.idx.add.f32.msk $0xffff, v12  }
0x1a9: {  	[tilespmem:v5+s18+$0x0] =	vst.idx.add.f32.msk $0xffff, v14;
	v1 =	vmul.f32 v11, v3  }
0x1aa: {  	[tilespmem:v6+s18+$0x0] =	vst.idx.add.f32.msk $0xffff, v2  }
0x1ab: {  	[tilespmem:v7+s18+$0x0] =	vst.idx.add.f32.msk $0xffff, v1  }
0x1ac: {  	_ =	swait.ge [sflag:s17], $0x1F40  }
0x1ad: {  	[sflag:s17] =	ssyncset.done $0x0  }
0x1ae: {  	[sflag:s17] =	ssyncadd.s32 $0xFFFFE0C0  }
0x1af: {  	_ =	swait.ge [sflag:s17], $0xFA0  }
0x1b0: {  	[sflag:s17] =	ssyncset.done $0x0  }
0x1b1: {  	[sflag:s17] =	ssyncadd.s32 $0xFFFFF060  }
0x1b2: {  	[tilespmem:s11], [sflag:$0x1] =	stream.linear.gather [hbm4b:s3+s2], $0x1F40, $0x38;
	[tilespmem:$0x1E700] =	vst v63  }
0x1b3: {  	s22 =	simm.s32 $0xC3A0  }
0x1b4: {  	[tilespmem:s12], [sflag:$0x1] =	stream.linear.gather [hbm4b:s4+s2], $0xFA0, $0x38;
	[tilespmem:$0x1E700] =	vst v63  }
0x1b5: {  	v1 =	vld [tilespmem:s22+$0x20]  }
0x1b6: {  	v2 =	vld [tilespmem:s22+$0xFFFFFFF0]  }
0x1b7: {  	v3 =	vld [tilespmem:s22+$0x0]  }
0x1b8: {  	v4 =	vld [tilespmem:s22+$0x10]  }
0x1b9: {  	v5 =	vld [tilespmem:s22+$0xFFFFFFE0]  }
0x1ba: {  	s23 =	simm.s32 $0x20;
	v1 =	vmin.f32 v1, $1.000000000e+00  }
0x1bb: {  	[tilespmem:s23+$0x20] =	vst v1  }
0x1bc: {  	v1 =	vmin.f32 v2, $1.000000000e+00;
	[tilespmem:s22+$0x20] =	vst v0  }
0x1bd: {  	[tilespmem:s23+$0xFFFFFFF0] =	vst v1  }
0x1be: {  	s24 =	simm.s32 $0x0;
	s25 =	simm.s32 $0xC3F0;
	v2 =	vmin.f32 v3, $1.000000000e+00;
	v3 =	vmin.f32 v5, $1.000000000e+00;
	v1 =	vmin.f32 v4, $1.000000000e+00;
	[tilespmem:s22+$0xFFFFFFF0] =	vst v0  }
.LBB2_10:
0x1bf: {  	v4 =	vld [tilespmem:s25+$0x20];
	[tilespmem:s23+$0xFFFFFFE0] =	vst v3  }
0x1c0: {  	s24 =	sadd.s32 $0x5, s24;
	v3 =	vld [tilespmem:s25+$0xFFFFFFF0];
	[tilespmem:s22+$0xFFFFFFE0] =	vst v0  }
0x1c1: {  	p0 =	slt.u32 s24, $0xC30;
	v5 =	vld [tilespmem:s25+$0x0];
	[tilespmem:s23+$0x0] =	vst v2  }
0x1c2: {  	v6 =	vld [tilespmem:s25+$0x10];
	[tilespmem:s22+$0x0] =	vst v0  }
0x1c3: {  	v7 =	vld [tilespmem:s25+$0xFFFFFFE0];
	[tilespmem:s23+$0x10] =	vst v1  }
.Ltmp4:
0x1c4: {  	s23 =	sadd.s32 $0x50, s23;
	v1 =	vmin.f32 v4, $1.000000000e+00;
	[tilespmem:s22+$0x10] =	vst v0;
	s22 =	smov.u32 s25;
	(pc) =	sbr.rel @p0 .LBB2_10-.Ltmp4, $4  }
0x1c5: {  	v3 =	vmin.f32 v3, $1.000000000e+00;
	[tilespmem:s23+$0x20] =	vst v1  }
0x1c6: {  	v2 =	vmin.f32 v5, $1.000000000e+00;
	[tilespmem:s25+$0x20] =	vst v0  }
0x1c7: {  	[tilespmem:s23+$0xFFFFFFF0] =	vst v3;
	v1 =	vmin.f32 v6, $1.000000000e+00  }
0x1c8: {  	s25 =	sadd.s32 $0x50, s25;
	v3 =	vmin.f32 v7, $1.000000000e+00;
	[tilespmem:s22+$0xFFFFFFF0] =	vst v0  }
0x1c9: {  	[tilespmem:s23+$0xFFFFFFE0] =	vst v3  }
0x1ca: {  	[tilespmem:s23+$0x0] =	vst v2  }
0x1cb: {  	[tilespmem:s23+$0x10] =	vst v1  }
0x1cc: {  	[tilespmem:s22+$0xFFFFFFE0] =	vst v0  }
0x1cd: {  	[tilespmem:s22+$0x0] =	vst v0  }
0x1ce: {  	[tilespmem:s22+$0x10] =	vst v0;
	s22 =	simm.s32 $0x0  }
0x1cf: {  	[hbm4b:s7+s22] =	stream.linear.scatter [tilespmem:s22], [sflag:$0x3], $0xC350, $0x38;
	[tilespmem:$0x1E700] =	vst v63  }
0x1d0: {  	_ = 	snop  }
0x1d1: {  	[tilespmem:s14], [sflag:$0x4] =	stream.linear.gather [hbm4b:s8+s22], $0x200, $0x38;
	[tilespmem:$0x1E700] =	vst v63  }
0x1d2: {  	_ =	swait.ge [sflag:s13], $0x200  }
0x1d3: {  	[sflag:s13] =	ssyncset.done $0x0  }
0x1d4: {  	s23 =	simm.s32 $0x0;
	[sflag:s13] =	ssyncadd.s32 $0xFFFFFE00  }
.LBB2_12:
0x1d5: {  	s24 =	sshllo.u32 s23, $0x1  }
0x1d6: {  	s25 =	smul.u32 $0x3E8, s24;
	_ =	sdelay $0x1  }
0x1d7: {  	s24 =	smul.u32 $0x1F4, s24;
	s25 =	sadd.s32 s3, s25  }
0x1d8: {  	[tilespmem:s15], [sflag:$0x2] =	stream.linear.gather [hbm4b:s25+s22], $0x1F40, $0x38;
	[tilespmem:$0x1E700] =	vst v63  }
0x1d9: {  	s24 =	sadd.s32 s4, s24  }
0x1da: {  	[tilespmem:s16], [sflag:$0x2] =	stream.linear.gather [hbm4b:s24+s22], $0xFA0, $0x38;
	[tilespmem:$0x1E700] =	vst v63  }
0x1db: {  	_ =	swait.ge [sflag:s17], $0x1F40  }
0x1dc: {  	[sflag:s17] =	ssyncset.done $0x0  }
0x1dd: {  	[sflag:s17] =	ssyncadd.s32 $0xFFFFE0C0  }
0x1de: {  	_ =	swait.ge [sflag:s17], $0xFA0  }
0x1df: {  	[sflag:s17] =	ssyncset.done $0x0  }
0x1e0: {  	s31 =	simm.s32 $0x1C7D0;
	[sflag:s17] =	ssyncadd.s32 $0xFFFFF060  }
0x1e1: {  	v9 =	vld [tilespmem:s31+$0xFFFFFFB0]  }
0x1e2: {  	v7 =	vld [tilespmem:s31+$0xFFFFFFC0]  }
0x1e3: {  	s26 =	sand.u32 $0xFE0, s22;
	v6 =	vld [tilespmem:s31+$0xFFFFFFD0]  }
0x1e4: {  	v2 =	vld [tilespmem:s26+$0x18980]  }
0x1e5: {  	v10 =	vld [tilespmem:s26+$0x19900]  }
0x1e6: {  	v8 =	vld [tilespmem:s31+$0xFFFFFFE0]  }
0x1e7: {  	v5 =	vld [tilespmem:s31+$0xFFFFFFF0]  }
0x1e8: {  	v4 =	vld [tilespmem:s31+$0x0]  }
0x1e9: {  	v3 =	vld [tilespmem:s31+$0x10]  }
0x1ea: {  	s24 =	simm.s32 $0x19930;
	v1 =	vld [tilespmem:s31+$0x20]  }
0x1eb: {  	v13 =	vld [tilespmem:s24+$0xFFFFFFF0]  }
0x1ec: {  	v14 =	vld [tilespmem:s26+$0x1C800]  }
0x1ed: {  	v15 =	vld [tilespmem:s24+$0xFFFFEFE0]  }
0x1ee: {  	v16 =	vld [tilespmem:s24+$0xFFFFEFF0]  }
0x1ef: {  	v17 =	vld [tilespmem:s24+$0xFFFFF000]  }
0x1f0: {  	v19 =	vld [tilespmem:s24+$0xFFFFF010]  }
0x1f1: {  	v21 =	vld [tilespmem:s24+$0xFFFFF020]  }
0x1f2: {  	v22 =	vld [tilespmem:s24+$0xFFFFF030]  }
0x1f3: {  	v49 =	vld [tilespmem:s24+$0xFFFFF040]  }
0x1f4: {  	v53 =	vld [tilespmem:s24+$0xFFFFF060]  }
0x1f5: {  	v25 =	vld [tilespmem:s24+$0xFFFFEFD0]  }
0x1f6: {  	v29 =	vld [tilespmem:s24+$0xFFFFFF70]  }
0x1f7: {  	v30 =	vld [tilespmem:s24+$0xFFFFFF80]  }
0x1f8: {  	v31 =	vld [tilespmem:s24+$0xFFFFFF90]  }
0x1f9: {  	v33 =	vld [tilespmem:s24+$0xFFFFFFA0]  }
0x1fa: {  	v35 =	vld [tilespmem:s24+$0xFFFFFFB0];
	v11 =	vand.u32 $0xFFFF, v2  }
0x1fb: {  	v36 =	vld [tilespmem:s24+$0xFFFFFFC0];
	v12 =	vshrl.u32 v2, $0x10  }
0x1fc: {  	v38 =	vld [tilespmem:s24+$0xFFFFFFE0];
	v23 =	vand.u32 $0xFFFF, v15  }
0x1fd: {  	v62 =	vld [tilespmem:s24+$0x0];
	v52 =	vand.u32 $0xFFFF, v16;
	v16 =	vshrl.u32 v16, $0x10  }
0x1fe: {  	v2 =	vld [tilespmem:s31+$0x40];
	v24 =	vand.u32 $0xFFFF, v17  }
0x1ff: {  	v17 =	vshrl.u32 v17, $0x10;
	v11 =	vld.idx.msk [tilespmem:v11+s2+$0x0], $0xffff  }
0x200: {  	v26 =	vand.u32 $0xFFFF, v19;
	v12 =	vld.idx.msk [tilespmem:v12+s14+$0x0], $0xffff  }
0x201: {  	v19 =	vshrl.u32 v19, $0x10;
	v23 =	vld.idx.msk [tilespmem:v23+s2+$0x0], $0xffff  }
0x202: {  	v54 =	vand.u32 $0xFFFF, v25;
	v16 =	vld.idx.msk [tilespmem:v16+s14+$0x0], $0xffff  }
0x203: {  	v25 =	vshrl.u32 v25, $0x10;
	v24 =	vld.idx.msk [tilespmem:v24+s2+$0x0], $0xffff  }
0x204: {  	v57 =	vshrl.u32 v21, $0x10;
	v56 =	vld.idx.msk [tilespmem:v17+s14+$0x0], $0xffff  }
0x205: {  	v59 =	vand.u32 $0xFFFF, v22;
	v58 =	vld.idx.msk [tilespmem:v26+s2+$0x0], $0xffff  }
0x206: {  	v22 =	vshrl.u32 v22, $0x10;
	v19 =	vld.idx.msk [tilespmem:v19+s14+$0x0], $0xffff  }
0x207: {  	v50 =	vshrl.u32 v15, $0x10;
	v27 =	vand.u32 $0xFFFF, v49;
	v15 =	vld.idx.msk [tilespmem:v54+s2+$0x0], $0xffff  }
0x208: {  	v28 =	vand.u32 $0xFFFF, v53;
	v25 =	vld.idx.msk [tilespmem:v25+s14+$0x0], $0xffff  }
0x209: {  	v18 =	vand.u32 $0xFFFF, v14;
	v17 =	vld.idx.msk [tilespmem:v57+s14+$0x0], $0xffff  }
0x20a: {  	v26 =	vld.idx.msk [tilespmem:v59+s2+$0x0], $0xffff  }
0x20b: {  	v22 =	vld.idx.msk [tilespmem:v22+s14+$0x0], $0xffff  }
0x20c: {  	v32 =	vand.u32 $0xFFFF, v9;
	v27 =	vld.idx.msk [tilespmem:v27+s2+$0x0], $0xffff;
	v11 =	vmul.f32 v12, v11  }
0x20d: {  	v61 =	vand.u32 $0xFFFF, v5;
	v28 =	vld.idx.msk [tilespmem:v28+s2+$0x0], $0xffff  }
0x20e: {  	v20 =	vand.u32 $0xFFFF, v13;
	[tilespmem:v18+s18+$0x0] =	vst.idx.add.f32.msk $0xffff, v11  }
0x20f: {  	v13 =	vshrl.u32 v13, $0x10;
	v15 =	vmul.f32 v25, v15;
	v11 =	vld.idx.msk [tilespmem:v50+s14+$0x0], $0xffff  }
0x210: {  	v39 =	vand.u32 $0xFFFF, v29;
	v19 =	vmul.f32 v19, v58;
	v18 =	vld.idx.msk [tilespmem:v52+s2+$0x0], $0xffff  }
0x211: {  	v40 =	vshrl.u32 v29, $0x10;
	[tilespmem:v32+s18+$0x0] =	vst.idx.add.f32.msk $0xffff, v15  }
0x212: {  	v12 =	vshrl.u32 v49, $0x10;
	[tilespmem:v61+s18+$0x0] =	vst.idx.add.f32.msk $0xffff, v19  }
0x213: {  	v50 =	vshrl.u32 v35, $0x10;
	v51 =	vld.idx.msk [tilespmem:v20+s2+$0x0], $0xffff  }
0x214: {  	v13 =	vld.idx.msk [tilespmem:v13+s14+$0x0], $0xffff;
	v20 =	vshrl.u32 v53, $0x10  }
0x215: {  	v34 =	vand.u32 $0xFFFF, v7;
	v46 =	vld.idx.msk [tilespmem:v39+s2+$0x0], $0xffff  }
0x216: {  	v60 =	vand.u32 $0xFFFF, v6;
	v15 =	vld.idx.msk [tilespmem:v40+s14+$0x0], $0xffff  }
0x217: {  	v14 =	vshrl.u32 v14, $0x10;
	v12 =	vld.idx.msk [tilespmem:v12+s14+$0x0], $0xffff  }
0x218: {  	v55 =	vand.u32 $0xFFFF, v21;
	v11 =	vmul.f32 v11, v23;
	v21 =	vld.idx.msk [tilespmem:v50+s14+$0x0], $0xffff  }
0x219: {  	v42 =	vand.u32 $0xFFFF, v30;
	v16 =	vmul.f32 v16, v18;
	v20 =	vld.idx.msk [tilespmem:v20+s14+$0x0], $0xffff  }
0x21a: {  	v43 =	vshrl.u32 v30, $0x10;
	v13 =	vmul.f32 v13, v51;
	[tilespmem:v34+s18+$0x0] =	vst.idx.add.f32.msk $0xffff, v11  }
0x21b: {  	v37 =	vand.u32 $0xFFFF, v8;
	[tilespmem:v60+s18+$0x0] =	vst.idx.add.f32.msk $0xffff, v16  }
0x21c: {  	v32 =	vand.u32 $0xFFFF, v1;
	[tilespmem:v14+s18+$0x0] =	vst.idx.add.f32.msk $0xffff, v13  }
0x21d: {  	v44 =	vand.u32 $0xFFFF, v31;
	v13 =	vld.idx.msk [tilespmem:v55+s2+$0x0], $0xffff  }
0x21e: {  	v47 =	vand.u32 $0xFFFF, v33;
	v14 =	vmul.f32 v56, v24;
	v19 =	vld.idx.msk [tilespmem:v42+s2+$0x0], $0xffff  }
0x21f: {  	v49 =	vand.u32 $0xFFFF, v35;
	v12 =	vmul.f32 v12, v27;
	v11 =	vld.idx.msk [tilespmem:v43+s14+$0x0], $0xffff  }
0x220: {  	v54 =	vand.u32 $0xFFFF, v38;
	[tilespmem:v37+s18+$0x0] =	vst.idx.add.f32.msk $0xffff, v14  }
0x221: {  	v9 =	vshrl.u32 v9, $0x10;
	[tilespmem:v32+s18+$0x0] =	vst.idx.add.f32.msk $0xffff, v12  }
0x222: {  	v24 =	vand.u32 $0xFFFF, v3;
	v12 =	vld.idx.msk [tilespmem:v44+s2+$0x0], $0xffff  }
0x223: {  	v34 =	vand.u32 $0xFFFF, v2;
	v16 =	vld.idx.msk [tilespmem:v47+s2+$0x0], $0xffff  }
0x224: {  	v48 =	vshrl.u32 v33, $0x10;
	v14 =	vmul.f32 v15, v46;
	v41 =	vmul.f32 v20, v28;
	v20 =	vld.idx.msk [tilespmem:v49+s2+$0x0], $0xffff  }
0x225: {  	v55 =	vshrl.u32 v38, $0x10;
	v37 =	vmul.f32 v22, v26;
	v25 =	vld.idx.msk [tilespmem:v54+s2+$0x0], $0xffff  }
0x226: {  	v53 =	vand.u32 $0xFFFF, v10;
	[tilespmem:v9+s18+$0x0] =	vst.idx.add.f32.msk $0xffff, v14  }
0x227: {  	v10 =	vshrl.u32 v10, $0x10;
	[tilespmem:v24+s18+$0x0] =	vst.idx.add.f32.msk $0xffff, v37  }
0x228: {  	v56 =	vand.u32 $0xFFFF, v62;
	[tilespmem:v34+s18+$0x0] =	vst.idx.add.f32.msk $0xffff, v41  }
0x229: {  	v18 =	vshrl.u32 v62, $0x10;
	v13 =	vmul.f32 v17, v13;
	v17 =	vld.idx.msk [tilespmem:v48+s14+$0x0], $0xffff  }
0x22a: {  	v63 =	vand.u32 $0xFFFF, v4;
	v26 =	vld.idx.msk [tilespmem:v55+s14+$0x0], $0xffff  }
0x22b: {  	v45 =	vshrl.u32 v31, $0x10;
	v24 =	vld.idx.msk [tilespmem:v53+s2+$0x0], $0xffff  }
0x22c: {  	v7 =	vshrl.u32 v7, $0x10;
	v10 =	vld.idx.msk [tilespmem:v10+s14+$0x0], $0xffff  }
0x22d: {  	v51 =	vand.u32 $0xFFFF, v36;
	v57 =	vld.idx.msk [tilespmem:v56+s2+$0x0], $0xffff  }
0x22e: {  	v52 =	vshrl.u32 v36, $0x10;
	v18 =	vld.idx.msk [tilespmem:v18+s14+$0x0], $0xffff  }
0x22f: {  	v5 =	vshrl.u32 v5, $0x10;
	v11 =	vmul.f32 v11, v19;
	[tilespmem:v63+s18+$0x0] =	vst.idx.add.f32.msk $0xffff, v13  }
0x230: {  	v8 =	vshrl.u32 v8, $0x10;
	v13 =	vld.idx.msk [tilespmem:v45+s14+$0x0], $0xffff  }
0x231: {  	v1 =	vshrl.u32 v1, $0x10;
	[tilespmem:v7+s18+$0x0] =	vst.idx.add.f32.msk $0xffff, v11  }
0x232: {  	v3 =	vshrl.u32 v3, $0x10;
	v22 =	vld.idx.msk [tilespmem:v51+s2+$0x0], $0xffff;
	v59 =	vmul.f32 v21, v20  }
0x233: {  	v2 =	vshrl.u32 v2, $0x10;
	v23 =	vld.idx.msk [tilespmem:v52+s14+$0x0], $0xffff;
	v58 =	vmul.f32 v17, v16  }
0x234: {  	v6 =	vshrl.u32 v6, $0x10;
	[tilespmem:v5+s18+$0x0] =	vst.idx.add.f32.msk $0xffff, v59;
	v62 =	vmul.f32 v26, v25  }
0x235: {  	v4 =	vshrl.u32 v4, $0x10;
	v61 =	vmul.f32 v10, v24;
	[tilespmem:v8+s18+$0x0] =	vst.idx.add.f32.msk $0xffff, v58  }
0x236: {  	v63 =	vmul.f32 v18, v57;
	[tilespmem:v1+s18+$0x0] =	vst.idx.add.f32.msk $0xffff, v62  }
0x237: {  	v12 =	vmul.f32 v13, v12;
	[tilespmem:v3+s18+$0x0] =	vst.idx.add.f32.msk $0xffff, v61  }
0x238: {  	v60 =	vmul.f32 v23, v22;
	[tilespmem:v2+s18+$0x0] =	vst.idx.add.f32.msk $0xffff, v63  }
0x239: {  	s28 =	simm.s32 $0x1C870;
	[tilespmem:v6+s18+$0x0] =	vst.idx.add.f32.msk $0xffff, v12  }
0x23a: {  	s29 =	simm.s32 $0x0;
	s25 =	sshll.u32 s23, $0x1;
	s26 =	simm.s32 $0x0;
	[tilespmem:v4+s18+$0x0] =	vst.idx.add.f32.msk $0xffff, v60  }
.LBB2_13:
0x23b: {  	v7 =	vld [tilespmem:s28+$0xFFFFFFB0]  }
0x23c: {  	s29 =	sadd.s32 $0xA0, s29;
	v1 =	vld [tilespmem:s28+$0xFFFFFFC0]  }
0x23d: {  	s30 =	sand.u32 $0xFE0, s29;
	v2 =	vld [tilespmem:s28+$0xFFFFFFD0]  }
0x23e: {  	v4 =	vld [tilespmem:s30+$0x18980]  }
0x23f: {  	s26 =	sadd.s32 $0xA, s26;
	v6 =	vld [tilespmem:s30+$0x19900]  }
0x240: {  	p0 =	slt.u32 s26, $0xF0;
	v8 =	vld [tilespmem:s28+$0xFFFFFFE0]  }
0x241: {  	v9 =	vld [tilespmem:s28+$0xFFFFFFF0]  }
0x242: {  	v5 =	vld [tilespmem:s28+$0x0]  }
0x243: {  	v3 =	vld [tilespmem:s28+$0x10];
	v12 =	vand.u32 $0xFFFF, v4  }
0x244: {  	v13 =	vshrl.u32 v4, $0x10;
	v11 =	vand.u32 $0xFFFF, v6;
	v10 =	vshrl.u32 v6, $0x10;
	v6 =	vld [tilespmem:s28+$0x20]  }
0x245: {  	s24 =	sadd.s32 $0xA0, s24;
	v4 =	vld [tilespmem:s28+$0x40]  }
0x246: {  	v14 =	vld [tilespmem:s24+$0xFFFFFFF0]  }
0x247: {  	v15 =	vld [tilespmem:s30+$0x1C800]  }
0x248: {  	v12 =	vld.idx.msk [tilespmem:v12+s2+$0x0], $0xffff  }
0x249: {  	v13 =	vld.idx.msk [tilespmem:v13+s14+$0x0], $0xffff  }
0x24a: {  	v16 =	vld [tilespmem:s24+$0xFFFFEFE0]  }
0x24b: {  	v17 =	vld [tilespmem:s24+$0xFFFFEFF0]  }
0x24c: {  	v18 =	vld [tilespmem:s24+$0xFFFFF000];
	v19 =	vand.u32 $0xFFFF, v15  }
0x24d: {  	v21 =	vand.u32 $0xFFFF, v14;
	v20 =	vld [tilespmem:s24+$0xFFFFF010]  }
0x24e: {  	v14 =	vshrl.u32 v14, $0x10;
	v22 =	vld [tilespmem:s24+$0xFFFFF020]  }
0x24f: {  	v12 =	vmul.f32 v13, v12;
	v23 =	vand.u32 $0xFFFF, v16;
	v16 =	vshrl.u32 v16, $0x10;
	v24 =	vld [tilespmem:s24+$0xFFFFF030]  }
0x250: {  	v13 =	vand.u32 $0xFFFF, v17;
	v17 =	vshrl.u32 v17, $0x10;
	v25 =	vld [tilespmem:s24+$0xFFFFF040]  }
0x251: {  	v26 =	vand.u32 $0xFFFF, v18;
	v18 =	vshrl.u32 v18, $0x10;
	[tilespmem:v19+s18+$0x0] =	vst.idx.add.f32.msk $0xffff, v12  }
0x252: {  	v12 =	vand.u32 $0xFFFF, v20;
	v19 =	vshrl.u32 v20, $0x10;
	v20 =	vld.idx.msk [tilespmem:v21+s2+$0x0], $0xffff  }
0x253: {  	v21 =	vand.u32 $0xFFFF, v22;
	v22 =	vshrl.u32 v22, $0x10;
	v14 =	vld.idx.msk [tilespmem:v14+s14+$0x0], $0xffff  }
0x254: {  	v27 =	vand.u32 $0xFFFF, v24;
	v24 =	vshrl.u32 v24, $0x10;
	v28 =	vld [tilespmem:s24+$0xFFFFF060]  }
0x255: {  	v29 =	vld [tilespmem:s24+$0xFFFFEFD0];
	v30 =	vand.u32 $0xFFFF, v25;
	v25 =	vshrl.u32 v25, $0x10  }
0x256: {  	v15 =	vshrl.u32 v15, $0x10;
	v23 =	vld.idx.msk [tilespmem:v23+s2+$0x0], $0xffff  }
0x257: {  	v16 =	vld.idx.msk [tilespmem:v16+s14+$0x0], $0xffff  }
0x258: {  	v13 =	vld.idx.msk [tilespmem:v13+s2+$0x0], $0xffff  }
0x259: {  	v14 =	vmul.f32 v14, v20;
	v17 =	vld.idx.msk [tilespmem:v17+s14+$0x0], $0xffff;
	v20 =	vand.u32 $0xFFFF, v28;
	v28 =	vshrl.u32 v28, $0x10  }
0x25a: {  	v31 =	vand.u32 $0xFFFF, v29;
	v29 =	vshrl.u32 v29, $0x10;
	v26 =	vld.idx.msk [tilespmem:v26+s2+$0x0], $0xffff  }
0x25b: {  	[tilespmem:v15+s18+$0x0] =	vst.idx.add.f32.msk $0xffff, v14  }
0x25c: {  	v14 =	vld.idx.msk [tilespmem:v18+s14+$0x0], $0xffff  }
0x25d: {  	v15 =	vmul.f32 v16, v23;
	v12 =	vld.idx.msk [tilespmem:v12+s2+$0x0], $0xffff  }
0x25e: {  	v16 =	vld.idx.msk [tilespmem:v19+s14+$0x0], $0xffff  }
0x25f: {  	v13 =	vmul.f32 v17, v13;
	v18 =	vld.idx.msk [tilespmem:v31+s2+$0x0], $0xffff  }
0x260: {  	v17 =	vld.idx.msk [tilespmem:v29+s14+$0x0], $0xffff  }
0x261: {  	v19 =	vld.idx.msk [tilespmem:v21+s2+$0x0], $0xffff  }
0x262: {  	v14 =	vmul.f32 v14, v26;
	v21 =	vld.idx.msk [tilespmem:v22+s14+$0x0], $0xffff  }
0x263: {  	v22 =	vld.idx.msk [tilespmem:v27+s2+$0x0], $0xffff  }
0x264: {  	v12 =	vmul.f32 v16, v12;
	v16 =	vld.idx.msk [tilespmem:v24+s14+$0x0], $0xffff  }
0x265: {  	v23 =	vld.idx.msk [tilespmem:v30+s2+$0x0], $0xffff  }
0x266: {  	v17 =	vmul.f32 v17, v18;
	v18 =	vld.idx.msk [tilespmem:v25+s14+$0x0], $0xffff  }
0x267: {  	v20 =	vld.idx.msk [tilespmem:v20+s2+$0x0], $0xffff  }
0x268: {  	v19 =	vmul.f32 v21, v19;
	v21 =	vld.idx.msk [tilespmem:v28+s14+$0x0], $0xffff  }
0x269: {  	v24 =	vld [tilespmem:s24+$0xFFFFFF70]  }
0x26a: {  	v16 =	vmul.f32 v16, v22;
	v25 =	vld [tilespmem:s24+$0xFFFFFF80]  }
0x26b: {  	v22 =	vld [tilespmem:s24+$0xFFFFFF90]  }
0x26c: {  	v26 =	vand.u32 $0xFFFF, v7;
	v18 =	vmul.f32 v18, v23;
	v27 =	vld [tilespmem:s24+$0xFFFFFFA0]  }
0x26d: {  	v28 =	vand.u32 $0xFFFF, v2;
	v23 =	vand.u32 $0xFFFF, v1;
	v29 =	vld [tilespmem:s24+$0xFFFFFFB0]  }
0x26e: {  	v20 =	vmul.f32 v21, v20;
	v30 =	vand.u32 $0xFFFF, v24;
	v24 =	vshrl.u32 v24, $0x10;
	v31 =	vld [tilespmem:s24+$0xFFFFFFC0]  }
0x26f: {  	v32 =	vand.u32 $0xFFFF, v8;
	v21 =	vand.u32 $0xFFFF, v25;
	v25 =	vshrl.u32 v25, $0x10;
	v33 =	vld [tilespmem:s24+$0xFFFFFFE0]  }
0x270: {  	v35 =	vand.u32 $0xFFFF, v9;
	v34 =	vand.u32 $0xFFFF, v22;
	v22 =	vshrl.u32 v22, $0x10;
	v36 =	vld [tilespmem:s24+$0x0]  }
0x271: {  	[tilespmem:v26+s18+$0x0] =	vst.idx.add.f32.msk $0xffff, v17;
	v17 =	vand.u32 $0xFFFF, v27;
	v26 =	vshrl.u32 v27, $0x10;
	v27 =	vand.u32 $0xFFFF, v5  }
0x272: {  	[tilespmem:v23+s18+$0x0] =	vst.idx.add.f32.msk $0xffff, v15;
	v15 =	vand.u32 $0xFFFF, v29;
	v23 =	vshrl.u32 v29, $0x10;
	v29 =	vand.u32 $0xFFFF, v3  }
0x273: {  	[tilespmem:v28+s18+$0x0] =	vst.idx.add.f32.msk $0xffff, v13;
	v13 =	vand.u32 $0xFFFF, v31;
	v28 =	vshrl.u32 v31, $0x10;
	v31 =	vand.u32 $0xFFFF, v6  }
0x274: {  	[tilespmem:v32+s18+$0x0] =	vst.idx.add.f32.msk $0xffff, v14;
	v14 =	vand.u32 $0xFFFF, v33;
	v32 =	vshrl.u32 v33, $0x10;
	v33 =	vand.u32 $0xFFFF, v4  }
0x275: {  	[tilespmem:v35+s18+$0x0] =	vst.idx.add.f32.msk $0xffff, v12;
	v12 =	vand.u32 $0xFFFF, v36;
	v35 =	vshrl.u32 v36, $0x10  }
0x276: {  	[tilespmem:v27+s18+$0x0] =	vst.idx.add.f32.msk $0xffff, v19  }
0x277: {  	[tilespmem:v29+s18+$0x0] =	vst.idx.add.f32.msk $0xffff, v16  }
0x278: {  	[tilespmem:v31+s18+$0x0] =	vst.idx.add.f32.msk $0xffff, v18  }
0x279: {  	[tilespmem:v33+s18+$0x0] =	vst.idx.add.f32.msk $0xffff, v20  }
0x27a: {  	v16 =	vld.idx.msk [tilespmem:v30+s2+$0x0], $0xffff  }
0x27b: {  	v18 =	vld.idx.msk [tilespmem:v24+s14+$0x0], $0xffff  }
0x27c: {  	v19 =	vld.idx.msk [tilespmem:v21+s2+$0x0], $0xffff  }
0x27d: {  	v20 =	vld.idx.msk [tilespmem:v25+s14+$0x0], $0xffff  }
0x27e: {  	v21 =	vld.idx.msk [tilespmem:v34+s2+$0x0], $0xffff  }
0x27f: {  	v22 =	vld.idx.msk [tilespmem:v22+s14+$0x0], $0xffff  }
0x280: {  	v17 =	vld.idx.msk [tilespmem:v17+s2+$0x0], $0xffff  }
0x281: {  	v16 =	vmul.f32 v18, v16;
	v18 =	vld.idx.msk [tilespmem:v26+s14+$0x0], $0xffff  }
0x282: {  	v15 =	vld.idx.msk [tilespmem:v15+s2+$0x0], $0xffff  }
0x283: {  	v19 =	vmul.f32 v20, v19;
	v20 =	vld.idx.msk [tilespmem:v23+s14+$0x0], $0xffff  }
0x284: {  	v13 =	vld.idx.msk [tilespmem:v13+s2+$0x0], $0xffff  }
0x285: {  	v21 =	vmul.f32 v22, v21;
	v22 =	vld.idx.msk [tilespmem:v28+s14+$0x0], $0xffff  }
0x286: {  	v11 =	vld.idx.msk [tilespmem:v11+s2+$0x0], $0xffff  }
0x287: {  	v7 =	vshrl.u32 v7, $0x10;
	v17 =	vmul.f32 v18, v17;
	v10 =	vld.idx.msk [tilespmem:v10+s14+$0x0], $0xffff  }
0x288: {  	v1 =	vshrl.u32 v1, $0x10;
	v14 =	vld.idx.msk [tilespmem:v14+s2+$0x0], $0xffff  }
0x289: {  	v2 =	vshrl.u32 v2, $0x10;
	v15 =	vmul.f32 v20, v15;
	v18 =	vld.idx.msk [tilespmem:v32+s14+$0x0], $0xffff  }
0x28a: {  	v8 =	vshrl.u32 v8, $0x10;
	v12 =	vld.idx.msk [tilespmem:v12+s2+$0x0], $0xffff  }
0x28b: {  	v9 =	vshrl.u32 v9, $0x10;
	v13 =	vmul.f32 v22, v13;
	v20 =	vld.idx.msk [tilespmem:v35+s14+$0x0], $0xffff  }
0x28c: {  	v5 =	vshrl.u32 v5, $0x10;
	[tilespmem:v7+s18+$0x0] =	vst.idx.add.f32.msk $0xffff, v16  }
0x28d: {  	[tilespmem:v1+s18+$0x0] =	vst.idx.add.f32.msk $0xffff, v19;
	v1 =	vshrl.u32 v3, $0x10;
	v3 =	vmul.f32 v10, v11  }
0x28e: {  	[tilespmem:v2+s18+$0x0] =	vst.idx.add.f32.msk $0xffff, v21;
	v2 =	vshrl.u32 v6, $0x10  }
0x28f: {  	v4 =	vshrl.u32 v4, $0x10;
	v6 =	vmul.f32 v18, v14;
	[tilespmem:v8+s18+$0x0] =	vst.idx.add.f32.msk $0xffff, v17  }
.Ltmp5:
0x290: {  	[tilespmem:v9+s18+$0x0] =	vst.idx.add.f32.msk $0xffff, v15;
	(pc) =	sbr.rel @p0 .LBB2_13-.Ltmp5, $4  }
0x291: {  	[tilespmem:v5+s18+$0x0] =	vst.idx.add.f32.msk $0xffff, v13;
	v5 =	vmul.f32 v20, v12  }
0x292: {  	[tilespmem:v1+s18+$0x0] =	vst.idx.add.f32.msk $0xffff, v3  }
0x293: {  	[tilespmem:v2+s18+$0x0] =	vst.idx.add.f32.msk $0xffff, v6  }
0x294: {  	s28 =	sadd.s32 $0xA0, s28;
	[tilespmem:v4+s18+$0x0] =	vst.idx.add.f32.msk $0xffff, v5  }
0x295: {  	s24 =	smin.u32 s25, $0x60  }
0x296: {  	s24 =	sadd.s32 $0x2, s24  }
0x297: {  	s30 =	smul.u32 $0x3E8, s24;
	_ =	sdelay $0x1  }
0x298: {  	s26 =	simm.s32 $0x0;
	s24 =	smul.u32 $0x1F4, s24;
	s25 =	sadd.s32 s3, s30  }
0x299: {  	[tilespmem:s11], [sflag:$0x1] =	stream.linear.gather [hbm4b:s25+s26], $0x1F40, $0x38;
	[tilespmem:$0x1E700] =	vst v63  }
0x29a: {  	s24 =	sadd.s32 s4, s24  }
0x29b: {  	[tilespmem:s12], [sflag:$0x1] =	stream.linear.gather [hbm4b:s24+s26], $0xFA0, $0x38;
	[tilespmem:$0x1E700] =	vst v63  }
0x29c: {  	_ =	swait.ge [sflag:s19], $0x1F40  }
0x29d: {  	[sflag:s19] =	ssyncset.done $0x0  }
0x29e: {  	[sflag:s19] =	ssyncadd.s32 $0xFFFFE0C0  }
0x29f: {  	_ =	swait.ge [sflag:s19], $0xFA0  }
0x2a0: {  	[sflag:s19] =	ssyncset.done $0x0  }
0x2a1: {  	s31 =	sand.u32 $0xFE0, s26;
	[sflag:s19] =	ssyncadd.s32 $0xFFFFF060  }
0x2a2: {  	v2 =	vld [tilespmem:s31+$0x1A880]  }
0x2a3: {  	v1 =	vld [tilespmem:s31+$0x1D780]  }
0x2a4: {  	s24 =	simm.s32 $0x1B870;
	v4 =	vld [tilespmem:s31+$0x1B800]  }
0x2a5: {  	s25 =	simm.s32 $0x1D7B0;
	v5 =	vld [tilespmem:s24+$0xFFFFFFB0]  }
0x2a6: {  	v6 =	vld [tilespmem:s25+$0xFFFFFFB0]  }
0x2a7: {  	v7 =	vld [tilespmem:s24+$0xFFFFEFE0]  }
0x2a8: {  	v8 =	vld [tilespmem:s24+$0xFFFFEFF0]  }
0x2a9: {  	v9 =	vld [tilespmem:s24+$0xFFFFF000]  }
0x2aa: {  	v12 =	vld [tilespmem:s24+$0xFFFFF020]  }
0x2ab: {  	v13 =	vld [tilespmem:s24+$0xFFFFF030]  }
0x2ac: {  	v14 =	vld [tilespmem:s24+$0xFFFFF050]  }
0x2ad: {  	v17 =	vld [tilespmem:s24+$0xFFFFEFD0]  }
0x2ae: {  	v21 =	vld [tilespmem:s25+$0xFFFFFF70]  }
0x2af: {  	v22 =	vld [tilespmem:s25+$0xFFFFFF80]  }
0x2b0: {  	v23 =	vld [tilespmem:s25+$0xFFFFFF90]  }
0x2b1: {  	v24 =	vld [tilespmem:s25+$0xFFFFFFA0]  }
0x2b2: {  	v25 =	vld [tilespmem:s25+$0xFFFFFFC0]  }
0x2b3: {  	v26 =	vld [tilespmem:s25+$0xFFFFFFE0]  }
0x2b4: {  	v27 =	vld [tilespmem:s25+$0xFFFFFFF0]  }
0x2b5: {  	v28 =	vld [tilespmem:s25+$0x0]  }
0x2b6: {  	v29 =	vld [tilespmem:s24+$0xFFFFFF70];
	v3 =	vand.u32 $0xFFFF, v2  }
0x2b7: {  	v30 =	vld [tilespmem:s24+$0xFFFFFF80];
	v2 =	vshrl.u32 v2, $0x10  }
0x2b8: {  	v31 =	vld [tilespmem:s24+$0xFFFFFFA0]  }
0x2b9: {  	v33 =	vld [tilespmem:s24+$0xFFFFFFC0]  }
0x2ba: {  	v35 =	vld [tilespmem:s24+$0xFFFFFFD0];
	v15 =	vand.u32 $0xFFFF, v7  }
0x2bb: {  	v16 =	vand.u32 $0xFFFF, v9;
	v3 =	vld.idx.msk [tilespmem:v3+s2+$0x0], $0xffff  }
0x2bc: {  	v18 =	vand.u32 $0xFFFF, v12;
	v12 =	vshrl.u32 v12, $0x10;
	v2 =	vld.idx.msk [tilespmem:v2+s14+$0x0], $0xffff  }
0x2bd: {  	v37 =	vld [tilespmem:s24+$0xFFFFFFE0]  }
0x2be: {  	v38 =	vld [tilespmem:s24+$0xFFFFFFF0];
	v10 =	vand.u32 $0xFFFF, v6  }
0x2bf: {  	v11 =	vand.u32 $0xFFFF, v5;
	v15 =	vld.idx.msk [tilespmem:v15+s2+$0x0], $0xffff  }
0x2c0: {  	v5 =	vshrl.u32 v5, $0x10;
	v16 =	vld.idx.msk [tilespmem:v16+s2+$0x0], $0xffff  }
0x2c1: {  	v19 =	vand.u32 $0xFFFF, v14;
	v12 =	vld.idx.msk [tilespmem:v12+s14+$0x0], $0xffff;
	v2 =	vmul.f32 v2, v3  }
0x2c2: {  	v14 =	vshrl.u32 v14, $0x10;
	v3 =	vld [tilespmem:s24+$0xFFFFF040]  }
0x2c3: {  	[tilespmem:v10+s18+$0x0] =	vst.idx.add.f32.msk $0xffff, v2  }
0x2c4: {  	v2 =	vshrl.u32 v7, $0x10;
	v7 =	vld.idx.msk [tilespmem:v11+s2+$0x0], $0xffff  }
0x2c5: {  	v10 =	vand.u32 $0xFFFF, v8;
	v5 =	vld.idx.msk [tilespmem:v5+s14+$0x0], $0xffff  }
0x2c6: {  	v19 =	vld.idx.msk [tilespmem:v19+s2+$0x0], $0xffff;
	v8 =	vshrl.u32 v8, $0x10  }
0x2c7: {  	v6 =	vshrl.u32 v6, $0x10;
	v14 =	vld.idx.msk [tilespmem:v14+s14+$0x0], $0xffff  }
0x2c8: {  	v9 =	vshrl.u32 v9, $0x10;
	v11 =	vld [tilespmem:s24+$0xFFFFF060]  }
0x2c9: {  	v2 =	vld.idx.msk [tilespmem:v2+s14+$0x0], $0xffff  }
0x2ca: {  	v52 =	vand.u32 $0xFFFF, v3;
	v10 =	vld.idx.msk [tilespmem:v10+s2+$0x0], $0xffff;
	v5 =	vmul.f32 v5, v7  }
0x2cb: {  	v3 =	vshrl.u32 v3, $0x10;
	v8 =	vld.idx.msk [tilespmem:v8+s14+$0x0], $0xffff  }
0x2cc: {  	v7 =	vand.u32 $0xFFFF, v17;
	[tilespmem:v6+s18+$0x0] =	vst.idx.add.f32.msk $0xffff, v5  }
0x2cd: {  	v17 =	vshrl.u32 v17, $0x10;
	v6 =	vld.idx.msk [tilespmem:v9+s14+$0x0], $0xffff  }
0x2ce: {  	v20 =	vand.u32 $0xFFFF, v11;
	v5 =	vand.u32 $0xFFFF, v13;
	v9 =	vshrl.u32 v13, $0x10;
	v13 =	vld.idx.msk [tilespmem:v18+s2+$0x0], $0xffff  }
0x2cf: {  	v11 =	vshrl.u32 v11, $0x10;
	v18 =	vld.idx.msk [tilespmem:v52+s2+$0x0], $0xffff  }
0x2d0: {  	v3 =	vld.idx.msk [tilespmem:v3+s14+$0x0], $0xffff  }
0x2d1: {  	v7 =	vld.idx.msk [tilespmem:v7+s2+$0x0], $0xffff  }
0x2d2: {  	v34 =	vand.u32 $0xFFFF, v22;
	v17 =	vld.idx.msk [tilespmem:v17+s14+$0x0], $0xffff  }
0x2d3: {  	v36 =	vand.u32 $0xFFFF, v23;
	v20 =	vld.idx.msk [tilespmem:v20+s2+$0x0], $0xffff  }
0x2d4: {  	v2 =	vmul.f32 v2, v15;
	v15 =	vand.u32 $0xFFFF, v25;
	v11 =	vld.idx.msk [tilespmem:v11+s14+$0x0], $0xffff  }
0x2d5: {  	v53 =	vand.u32 $0xFFFF, v24;
	v5 =	vld.idx.msk [tilespmem:v5+s2+$0x0], $0xffff  }
0x2d6: {  	v8 =	vmul.f32 v8, v10;
	v10 =	vand.u32 $0xFFFF, v27;
	v9 =	vld.idx.msk [tilespmem:v9+s14+$0x0], $0xffff  }
0x2d7: {  	v32 =	vand.u32 $0xFFFF, v21;
	[tilespmem:v34+s18+$0x0] =	vst.idx.add.f32.msk $0xffff, v2;
	v2 =	vmul.f32 v12, v13  }
0x2d8: {  	v40 =	vand.u32 $0xFFFF, v1;
	[tilespmem:v36+s18+$0x0] =	vst.idx.add.f32.msk $0xffff, v8;
	v6 =	vmul.f32 v6, v16  }
0x2d9: {  	[tilespmem:v15+s18+$0x0] =	vst.idx.add.f32.msk $0xffff, v2;
	v2 =	vmul.f32 v14, v19  }
0x2da: {  	v8 =	vand.u32 $0xFFFF, v28;
	[tilespmem:v53+s18+$0x0] =	vst.idx.add.f32.msk $0xffff, v6;
	v7 =	vmul.f32 v17, v7  }
0x2db: {  	v6 =	vand.u32 $0xFFFF, v29;
	[tilespmem:v10+s18+$0x0] =	vst.idx.add.f32.msk $0xffff, v2;
	v5 =	vmul.f32 v9, v5  }
0x2dc: {  	v2 =	vand.u32 $0xFFFF, v4;
	[tilespmem:v32+s18+$0x0] =	vst.idx.add.f32.msk $0xffff, v7  }
0x2dd: {  	v7 =	vand.u32 $0xFFFF, v26;
	[tilespmem:v40+s18+$0x0] =	vst.idx.add.f32.msk $0xffff, v5;
	v5 =	vmul.f32 v11, v20  }
0x2de: {  	v39 =	vld [tilespmem:s24+$0x0];
	v4 =	vshrl.u32 v4, $0x10  }
0x2df: {  	v9 =	vshrl.u32 v29, $0x10;
	[tilespmem:v8+s18+$0x0] =	vst.idx.add.f32.msk $0xffff, v5  }
0x2e0: {  	v3 =	vmul.f32 v3, v18;
	v11 =	vand.u32 $0xFFFF, v30;
	v5 =	vld.idx.msk [tilespmem:v6+s2+$0x0], $0xffff  }
0x2e1: {  	v6 =	vand.u32 $0xFFFF, v31;
	v12 =	vld.idx.msk [tilespmem:v2+s2+$0x0], $0xffff  }
0x2e2: {  	[tilespmem:v7+s18+$0x0] =	vst.idx.add.f32.msk $0xffff, v3;
	v3 =	vshrl.u32 v30, $0x10  }
0x2e3: {  	v8 =	vshrl.u32 v31, $0x10;
	v13 =	vld.idx.msk [tilespmem:v4+s14+$0x0], $0xffff  }
0x2e4: {  	v2 =	vand.u32 $0xFFFF, v35;
	v7 =	vld.idx.msk [tilespmem:v9+s14+$0x0], $0xffff  }
0x2e5: {  	v4 =	vshrl.u32 v35, $0x10;
	v10 =	vld.idx.msk [tilespmem:v11+s2+$0x0], $0xffff  }
0x2e6: {  	v9 =	vand.u32 $0xFFFF, v33;
	v14 =	vld.idx.msk [tilespmem:v6+s2+$0x0], $0xffff  }
0x2e7: {  	v11 =	vld.idx.msk [tilespmem:v3+s14+$0x0], $0xffff;
	v3 =	vshrl.u32 v33, $0x10  }
0x2e8: {  	v23 =	vshrl.u32 v23, $0x10;
	v15 =	vld.idx.msk [tilespmem:v8+s14+$0x0], $0xffff  }
0x2e9: {  	v6 =	vand.u32 $0xFFFF, v37;
	v56 =	vld.idx.msk [tilespmem:v2+s2+$0x0], $0xffff  }
0x2ea: {  	v8 =	vshrl.u32 v37, $0x10;
	v58 =	vld.idx.msk [tilespmem:v4+s14+$0x0], $0xffff  }
0x2eb: {  	v63 =	vmul.f32 v13, v12;
	v54 =	vld.idx.msk [tilespmem:v9+s2+$0x0], $0xffff;
	v9 =	vand.u32 $0xFFFF, v38  }
0x2ec: {  	v55 =	vld.idx.msk [tilespmem:v3+s14+$0x0], $0xffff;
	v3 =	vshrl.u32 v38, $0x10  }
0x2ed: {  	v59 =	vshrl.u32 v39, $0x10;
	[tilespmem:v23+s18+$0x0] =	vst.idx.add.f32.msk $0xffff, v63  }
0x2ee: {  	v57 =	vand.u32 $0xFFFF, v39;
	v60 =	vld.idx.msk [tilespmem:v6+s2+$0x0], $0xffff  }
0x2ef: {  	v6 =	vshrl.u32 v21, $0x10;
	v61 =	vld.idx.msk [tilespmem:v8+s14+$0x0], $0xffff  }
0x2f0: {  	v22 =	vshrl.u32 v22, $0x10;
	v2 =	vld.idx.msk [tilespmem:v9+s2+$0x0], $0xffff  }
0x2f1: {  	v9 =	vshrl.u32 v24, $0x10;
	v4 =	vld.idx.msk [tilespmem:v3+s14+$0x0], $0xffff  }
0x2f2: {  	v7 =	vmul.f32 v7, v5;
	v62 =	vmul.f32 v11, v10;
	v11 =	vld.idx.msk [tilespmem:v59+s14+$0x0], $0xffff  }
0x2f3: {  	v1 =	vshrl.u32 v1, $0x10;
	v5 =	vshrl.u32 v26, $0x10;
	v8 =	vshrl.u32 v25, $0x10;
	v3 =	vld.idx.msk [tilespmem:v57+s2+$0x0], $0xffff  }
0x2f4: {  	v13 =	vmul.f32 v15, v14;
	v12 =	vmul.f32 v58, v56;
	[tilespmem:v6+s18+$0x0] =	vst.idx.add.f32.msk $0xffff, v7;
	v6 =	vshrl.u32 v27, $0x10  }
0x2f5: {  	s28 =	simm.s32 $0xA0;
	s26 =	simm.s32 $0x0;
	[tilespmem:v22+s18+$0x0] =	vst.idx.add.f32.msk $0xffff, v62;
	v7 =	vshrl.u32 v28, $0x10;
	v14 =	vmul.f32 v61, v60;
	v10 =	vmul.f32 v55, v54  }
.LBB2_15:
0x2f6: {  	s29 =	sand.u32 $0xFE0, s28;
	[tilespmem:v9+s18+$0x0] =	vst.idx.add.f32.msk $0xffff, v13;
	v2 =	vmul.f32 v4, v2  }
0x2f7: {  	v4 =	vld [tilespmem:s29+$0x1A880]  }
0x2f8: {  	s26 =	sadd.s32 $0xA, s26;
	v11 =	vmul.f32 v11, v3;
	v9 =	vld [tilespmem:s29+$0x1D780]  }
0x2f9: {  	p0 =	slt.u32 s26, $0xF0;
	v13 =	vld [tilespmem:s29+$0x1B800]  }
0x2fa: {  	[tilespmem:v8+s18+$0x0] =	vst.idx.add.f32.msk $0xffff, v10  }
0x2fb: {  	[tilespmem:v1+s18+$0x0] =	vst.idx.add.f32.msk $0xffff, v12  }
0x2fc: {  	v8 =	vand.u32 $0xFFFF, v4;
	[tilespmem:v5+s18+$0x0] =	vst.idx.add.f32.msk $0xffff, v14  }
0x2fd: {  	v5 =	vshrl.u32 v4, $0x10;
	v4 =	vand.u32 $0xFFFF, v9;
	v1 =	vshrl.u32 v9, $0x10;
	[tilespmem:v6+s18+$0x0] =	vst.idx.add.f32.msk $0xffff, v2  }
0x2fe: {  	s24 =	sadd.s32 $0xA0, s24;
	v3 =	vand.u32 $0xFFFF, v13;
	v2 =	vshrl.u32 v13, $0x10;
	[tilespmem:v7+s18+$0x0] =	vst.idx.add.f32.msk $0xffff, v11  }
0x2ff: {  	s25 =	sadd.s32 $0xA0, s25;
	v6 =	vld [tilespmem:s24+$0xFFFFFFB0]  }
0x300: {  	v7 =	vld [tilespmem:s25+$0xFFFFFFB0]  }
0x301: {  	v8 =	vld.idx.msk [tilespmem:v8+s2+$0x0], $0xffff  }
0x302: {  	v5 =	vld.idx.msk [tilespmem:v5+s14+$0x0], $0xffff  }
0x303: {  	v9 =	vld [tilespmem:s24+$0xFFFFEFE0]  }
0x304: {  	v10 =	vld [tilespmem:s24+$0xFFFFEFF0]  }
0x305: {  	v11 =	vld [tilespmem:s24+$0xFFFFF000];
	v12 =	vand.u32 $0xFFFF, v7  }
0x306: {  	v13 =	vand.u32 $0xFFFF, v6;
	v14 =	vld [tilespmem:s24+$0xFFFFF020]  }
0x307: {  	v6 =	vshrl.u32 v6, $0x10;
	v15 =	vld [tilespmem:s24+$0xFFFFF030]  }
0x308: {  	v5 =	vmul.f32 v5, v8;
	v16 =	vand.u32 $0xFFFF, v9;
	v9 =	vshrl.u32 v9, $0x10;
	v8 =	vld [tilespmem:s24+$0xFFFFF040]  }
0x309: {  	v17 =	vand.u32 $0xFFFF, v10;
	v10 =	vshrl.u32 v10, $0x10;
	v18 =	vld [tilespmem:s24+$0xFFFFF050]  }
0x30a: {  	v19 =	vand.u32 $0xFFFF, v11;
	v11 =	vshrl.u32 v11, $0x10;
	[tilespmem:v12+s18+$0x0] =	vst.idx.add.f32.msk $0xffff, v5  }
0x30b: {  	v5 =	vld.idx.msk [tilespmem:v13+s2+$0x0], $0xffff;
	v12 =	vand.u32 $0xFFFF, v14;
	v13 =	vshrl.u32 v14, $0x10  }
0x30c: {  	v6 =	vld.idx.msk [tilespmem:v6+s14+$0x0], $0xffff;
	v14 =	vand.u32 $0xFFFF, v15;
	v15 =	vshrl.u32 v15, $0x10  }
0x30d: {  	v20 =	vand.u32 $0xFFFF, v8;
	v8 =	vshrl.u32 v8, $0x10;
	v21 =	vld [tilespmem:s24+$0xFFFFF060]  }
0x30e: {  	v22 =	vld [tilespmem:s24+$0xFFFFEFD0];
	v23 =	vand.u32 $0xFFFF, v18;
	v18 =	vshrl.u32 v18, $0x10  }
0x30f: {  	v7 =	vshrl.u32 v7, $0x10;
	v16 =	vld.idx.msk [tilespmem:v16+s2+$0x0], $0xffff  }
0x310: {  	v9 =	vld.idx.msk [tilespmem:v9+s14+$0x0], $0xffff  }
0x311: {  	v17 =	vld.idx.msk [tilespmem:v17+s2+$0x0], $0xffff  }
0x312: {  	v5 =	vmul.f32 v6, v5;
	v10 =	vld.idx.msk [tilespmem:v10+s14+$0x0], $0xffff;
	v6 =	vand.u32 $0xFFFF, v21;
	v21 =	vshrl.u32 v21, $0x10  }
0x313: {  	v24 =	vand.u32 $0xFFFF, v22;
	v22 =	vshrl.u32 v22, $0x10;
	v19 =	vld.idx.msk [tilespmem:v19+s2+$0x0], $0xffff  }
0x314: {  	[tilespmem:v7+s18+$0x0] =	vst.idx.add.f32.msk $0xffff, v5  }
0x315: {  	v5 =	vld.idx.msk [tilespmem:v11+s14+$0x0], $0xffff  }
0x316: {  	v11 =	vmul.f32 v9, v16;
	v7 =	vld.idx.msk [tilespmem:v12+s2+$0x0], $0xffff  }
0x317: {  	v9 =	vld.idx.msk [tilespmem:v13+s14+$0x0], $0xffff  }
0x318: {  	v10 =	vmul.f32 v10, v17;
	v12 =	vld.idx.msk [tilespmem:v24+s2+$0x0], $0xffff  }
0x319: {  	v13 =	vld.idx.msk [tilespmem:v22+s14+$0x0], $0xffff  }
0x31a: {  	v14 =	vld.idx.msk [tilespmem:v14+s2+$0x0], $0xffff  }
0x31b: {  	v16 =	vmul.f32 v5, v19;
	v5 =	vld.idx.msk [tilespmem:v15+s14+$0x0], $0xffff  }
0x31c: {  	v15 =	vld.idx.msk [tilespmem:v20+s2+$0x0], $0xffff  }
0x31d: {  	v17 =	vmul.f32 v9, v7;
	v7 =	vld.idx.msk [tilespmem:v8+s14+$0x0], $0xffff  }
0x31e: {  	v8 =	vld.idx.msk [tilespmem:v23+s2+$0x0], $0xffff  }
0x31f: {  	v12 =	vmul.f32 v13, v12;
	v9 =	vld.idx.msk [tilespmem:v18+s14+$0x0], $0xffff  }
0x320: {  	v6 =	vld.idx.msk [tilespmem:v6+s2+$0x0], $0xffff  }
0x321: {  	v13 =	vmul.f32 v5, v14;
	v5 =	vld.idx.msk [tilespmem:v21+s14+$0x0], $0xffff  }
0x322: {  	v14 =	vld [tilespmem:s25+$0xFFFFFF70]  }
0x323: {  	v15 =	vmul.f32 v7, v15;
	v18 =	vld [tilespmem:s25+$0xFFFFFF80]  }
0x324: {  	v7 =	vld [tilespmem:s25+$0xFFFFFF90]  }
0x325: {  	v20 =	vmul.f32 v9, v8;
	v19 =	vld [tilespmem:s25+$0xFFFFFFA0]  }
0x326: {  	v8 =	vld [tilespmem:s25+$0xFFFFFFC0]  }
0x327: {  	v23 =	vmul.f32 v5, v6;
	v21 =	vand.u32 $0xFFFF, v14;
	v14 =	vshrl.u32 v14, $0x10;
	v22 =	vld [tilespmem:s25+$0xFFFFFFE0]  }
0x328: {  	v24 =	vand.u32 $0xFFFF, v18;
	v18 =	vshrl.u32 v18, $0x10;
	v6 =	vld [tilespmem:s25+$0xFFFFFFF0]  }
0x329: {  	v25 =	vand.u32 $0xFFFF, v7;
	v26 =	vshrl.u32 v7, $0x10;
	v7 =	vld [tilespmem:s25+$0x0]  }
0x32a: {  	v27 =	vld [tilespmem:s24+$0xFFFFFF70];
	v28 =	vand.u32 $0xFFFF, v19;
	v9 =	vshrl.u32 v19, $0x10  }
0x32b: {  	v19 =	vld [tilespmem:s24+$0xFFFFFF80];
	v29 =	vand.u32 $0xFFFF, v8;
	v8 =	vshrl.u32 v8, $0x10  }
0x32c: {  	v30 =	vld [tilespmem:s24+$0xFFFFFFA0];
	v31 =	vand.u32 $0xFFFF, v22;
	v5 =	vshrl.u32 v22, $0x10  }
0x32d: {  	v22 =	vld [tilespmem:s24+$0xFFFFFFC0];
	v32 =	vand.u32 $0xFFFF, v6;
	v6 =	vshrl.u32 v6, $0x10  }
0x32e: {  	v33 =	vld [tilespmem:s24+$0xFFFFFFD0];
	v34 =	vand.u32 $0xFFFF, v7;
	v7 =	vshrl.u32 v7, $0x10  }
0x32f: {  	v35 =	vand.u32 $0xFFFF, v27;
	v27 =	vshrl.u32 v27, $0x10;
	v36 =	vld [tilespmem:s24+$0xFFFFFFE0]  }
0x330: {  	v37 =	vand.u32 $0xFFFF, v19;
	v19 =	vshrl.u32 v19, $0x10;
	v38 =	vld [tilespmem:s24+$0xFFFFFFF0]  }
0x331: {  	v39 =	vand.u32 $0xFFFF, v30;
	v30 =	vshrl.u32 v30, $0x10;
	v40 =	vld [tilespmem:s24+$0x0]  }
0x332: {  	[tilespmem:v21+s18+$0x0] =	vst.idx.add.f32.msk $0xffff, v12;
	v12 =	vand.u32 $0xFFFF, v22;
	v21 =	vshrl.u32 v22, $0x10  }
0x333: {  	[tilespmem:v24+s18+$0x0] =	vst.idx.add.f32.msk $0xffff, v11;
	v11 =	vand.u32 $0xFFFF, v33;
	v22 =	vshrl.u32 v33, $0x10  }
0x334: {  	[tilespmem:v25+s18+$0x0] =	vst.idx.add.f32.msk $0xffff, v10;
	v10 =	vand.u32 $0xFFFF, v36;
	v24 =	vshrl.u32 v36, $0x10  }
0x335: {  	[tilespmem:v28+s18+$0x0] =	vst.idx.add.f32.msk $0xffff, v16;
	v16 =	vand.u32 $0xFFFF, v38;
	v25 =	vshrl.u32 v38, $0x10  }
0x336: {  	[tilespmem:v29+s18+$0x0] =	vst.idx.add.f32.msk $0xffff, v17;
	v17 =	vand.u32 $0xFFFF, v40;
	v28 =	vshrl.u32 v40, $0x10  }
0x337: {  	[tilespmem:v4+s18+$0x0] =	vst.idx.add.f32.msk $0xffff, v13  }
0x338: {  	[tilespmem:v31+s18+$0x0] =	vst.idx.add.f32.msk $0xffff, v15  }
0x339: {  	[tilespmem:v32+s18+$0x0] =	vst.idx.add.f32.msk $0xffff, v20  }
0x33a: {  	[tilespmem:v34+s18+$0x0] =	vst.idx.add.f32.msk $0xffff, v23  }
0x33b: {  	v4 =	vld.idx.msk [tilespmem:v35+s2+$0x0], $0xffff  }
0x33c: {  	v13 =	vld.idx.msk [tilespmem:v27+s14+$0x0], $0xffff  }
0x33d: {  	v15 =	vld.idx.msk [tilespmem:v37+s2+$0x0], $0xffff  }
0x33e: {  	v19 =	vld.idx.msk [tilespmem:v19+s14+$0x0], $0xffff  }
0x33f: {  	v3 =	vld.idx.msk [tilespmem:v3+s2+$0x0], $0xffff  }
0x340: {  	v2 =	vld.idx.msk [tilespmem:v2+s14+$0x0], $0xffff  }
0x341: {  	v20 =	vld.idx.msk [tilespmem:v39+s2+$0x0], $0xffff  }
0x342: {  	v23 =	vmul.f32 v13, v4;
	v4 =	vld.idx.msk [tilespmem:v30+s14+$0x0], $0xffff  }
0x343: {  	v12 =	vld.idx.msk [tilespmem:v12+s2+$0x0], $0xffff  }
0x344: {  	v15 =	vmul.f32 v19, v15;
	v19 =	vld.idx.msk [tilespmem:v21+s14+$0x0], $0xffff  }
0x345: {  	v11 =	vld.idx.msk [tilespmem:v11+s2+$0x0], $0xffff  }
0x346: {  	v21 =	vmul.f32 v2, v3;
	v22 =	vld.idx.msk [tilespmem:v22+s14+$0x0], $0xffff  }
0x347: {  	v27 =	vld.idx.msk [tilespmem:v10+s2+$0x0], $0xffff  }
0x348: {  	v13 =	vmul.f32 v4, v20;
	v20 =	vld.idx.msk [tilespmem:v24+s14+$0x0], $0xffff  }
0x349: {  	v2 =	vld.idx.msk [tilespmem:v16+s2+$0x0], $0xffff  }
0x34a: {  	v10 =	vmul.f32 v19, v12;
	v4 =	vld.idx.msk [tilespmem:v25+s14+$0x0], $0xffff  }
.Ltmp6:
0x34b: {  	v3 =	vld.idx.msk [tilespmem:v17+s2+$0x0], $0xffff;
	(pc) =	sbr.rel @p0 .LBB2_15-.Ltmp6, $4  }
0x34c: {  	v12 =	vmul.f32 v22, v11;
	v11 =	vld.idx.msk [tilespmem:v28+s14+$0x0], $0xffff  }
0x34d: {  	[tilespmem:v14+s18+$0x0] =	vst.idx.add.f32.msk $0xffff, v23  }
0x34e: {  	v14 =	vmul.f32 v20, v27;
	[tilespmem:v18+s18+$0x0] =	vst.idx.add.f32.msk $0xffff, v15  }
0x34f: {  	s28 =	sadd.s32 $0xA0, s28;
	[tilespmem:v26+s18+$0x0] =	vst.idx.add.f32.msk $0xffff, v21  }
0x350: {  	_ =	sdelay $0x2  }
0x351: {  	s23 =	sadd.s32 $0x1, s23  }
0x352: {  	[tilespmem:v9+s18+$0x0] =	vst.idx.add.f32.msk $0xffff, v13;
	p0 =	sne.s32 s23, $0x32  }
.Ltmp7:
0x353: {  	[tilespmem:v8+s18+$0x0] =	vst.idx.add.f32.msk $0xffff, v10;
	(pc) =	sbr.rel @p0 .LBB2_12-.Ltmp7, $4  }
0x354: {  	v2 =	vmul.f32 v4, v2;
	[tilespmem:v1+s18+$0x0] =	vst.idx.add.f32.msk $0xffff, v12  }
0x355: {  	[tilespmem:v5+s18+$0x0] =	vst.idx.add.f32.msk $0xffff, v14;
	v1 =	vmul.f32 v11, v3  }
0x356: {  	[tilespmem:v6+s18+$0x0] =	vst.idx.add.f32.msk $0xffff, v2  }
0x357: {  	[tilespmem:v7+s18+$0x0] =	vst.idx.add.f32.msk $0xffff, v1  }
0x358: {  	_ =	swait.ge [sflag:s17], $0x1F40  }
0x359: {  	[sflag:s17] =	ssyncset.done $0x0  }
0x35a: {  	[sflag:s17] =	ssyncadd.s32 $0xFFFFE0C0  }
0x35b: {  	_ =	swait.ge [sflag:s17], $0xFA0  }
0x35c: {  	[sflag:s17] =	ssyncset.done $0x0  }
0x35d: {  	[sflag:s17] =	ssyncadd.s32 $0xFFFFF060  }
0x35e: {  	_ =	swait.ge [sflag:s20], $0xC350  }
0x35f: {  	[sflag:s20] =	ssyncset.done $0x0  }
0x360: {  	s22 =	simm.s32 $0xC3A0;
	[sflag:s20] =	ssyncadd.s32 $0xFFFF3CB0  }
0x361: {  	v1 =	vld [tilespmem:s22+$0xFFFFFFE0]  }
0x362: {  	v3 =	vld [tilespmem:s22+$0x10]  }
0x363: {  	v2 =	vld [tilespmem:s22+$0x20]  }
0x364: {  	v4 =	vld [tilespmem:s22+$0x0]  }
0x365: {  	v5 =	vld [tilespmem:s22+$0xFFFFFFF0]  }
0x366: {  	s23 =	simm.s32 $0xC3F0;
	s22 =	simm.s32 $0x20;
	v6 =	vmin.f32 v1, $1.000000000e+00  }
0x367: {  	v1 =	vld [tilespmem:s23+$0xFFFFFFE0];
	v7 =	vmin.f32 v3, $1.000000000e+00;
	[tilespmem:s22+$0xFFFFFFE0] =	vst v6  }
0x368: {  	v3 =	vld [tilespmem:s23+$0x10];
	v6 =	vmin.f32 v2, $1.000000000e+00;
	[tilespmem:s22+$0x10] =	vst v7  }
0x369: {  	v2 =	vld [tilespmem:s23+$0x20];
	[tilespmem:s22+$0x20] =	vst v6;
	v6 =	vmin.f32 v4, $1.000000000e+00  }
0x36a: {  	s24 =	simm.s32 $0x5;
	v5 =	vmin.f32 v5, $1.000000000e+00;
	v4 =	vld [tilespmem:s23+$0x0];
	[tilespmem:s22+$0x0] =	vst v6  }
.LBB2_18:
0x36b: {  	s24 =	sadd.s32 $0x5, s24  }
0x36c: {  	v6 =	vld [tilespmem:s23+$0xFFFFFFF0];
	[tilespmem:s22+$0xFFFFFFF0] =	vst v5;
	s22 =	sadd.s32 $0x50, s22;
	p0 =	slt.u32 s24, $0xC30  }
.Ltmp8:
0x36d: {  	s23 =	sadd.s32 $0x50, s23;
	v5 =	vmin.f32 v1, $1.000000000e+00;
	(pc) =	sbr.rel @p0 .LBB2_18-.Ltmp8, $4  }
0x36e: {  	v1 =	vld [tilespmem:s23+$0xFFFFFFE0];
	[tilespmem:s22+$0xFFFFFFE0] =	vst v5;
	v5 =	vmin.f32 v2, $1.000000000e+00  }
0x36f: {  	v2 =	vld [tilespmem:s23+$0x20];
	v7 =	vmin.f32 v3, $1.000000000e+00;
	[tilespmem:s22+$0x20] =	vst v5  }
0x370: {  	v3 =	vld [tilespmem:s23+$0x10];
	v8 =	vmin.f32 v4, $1.000000000e+00;
	[tilespmem:s22+$0x10] =	vst v7  }
0x371: {  	v4 =	vld [tilespmem:s23+$0x0];
	v5 =	vmin.f32 v6, $1.000000000e+00;
	[tilespmem:s22+$0x0] =	vst v8  }
0x372: {  	v6 =	vld [tilespmem:s23+$0xFFFFFFF0]  }
0x373: {  	[tilespmem:s22+$0xFFFFFFF0] =	vst v5;
	s31 =	sadd.s32 $0x50, s22;
	v1 =	vmin.f32 v1, $1.000000000e+00  }
0x374: {  	[tilespmem:s31+$0xFFFFFFE0] =	vst v1;
	v1 =	vmin.f32 v2, $1.000000000e+00  }
0x375: {  	v2 =	vmin.f32 v3, $1.000000000e+00;
	[tilespmem:s31+$0x20] =	vst v1  }
0x376: {  	s21 =	sadd.s32 $0x1, s21;
	v1 =	vmin.f32 v4, $1.000000000e+00;
	[tilespmem:s31+$0x10] =	vst v2  }
0x377: {  	p0 =	sne.s32 s21, s10;
	v2 =	vmin.f32 v6, $1.000000000e+00;
	[tilespmem:s31+$0x0] =	vst v1  }
.Ltmp9:
0x378: {  	[tilespmem:s31+$0xFFFFFFF0] =	vst v2;
	(pc) =	sbr.rel @p0 .LBB2_1-.Ltmp9, $4  }
0x379: {  	[hbm4b:s9+s2] =	stream.linear.scatter [tilespmem:s2], [sflag:$0x4], $0xC350, $0x38;
	[tilespmem:$0x1E700] =	vst v63  }
0x37a: {  	_ =	swait.ge [sflag:s13], $0xC350  }
0x37b: {  	[sflag:s13] =	ssyncset.done $0x0  }
0x37c: {  	[sflag:s13] =	ssyncadd.s32 $0xFFFF3CB0  }
0x37d: {  	_ =	sfence.sel $0x180000  }
0x37e: {  	[bflag:$0x0] =	sbarrier.arrive $0xFFFF  }
0x37f: {  	p0 =	sne.s32 s1, $0x0;
	_ =	strace $0x90000047  }
0x380: {  	s0 =	sadd.s32 @!p0 $0x100000, s0;
	[bflag:$0x2] =	sbarrier.arrive $0xFFFF  }
0x381: {  	[sflag:s0] =	ssyncadd.tile.s32 @!p0 $0x1;
	_ =	shalt  }
.Lfunc_end2:
_tile_overlayer_lowered:
.L_overlay_start_2:
0x382: {  	(tag) =	ssettag $0x2  }
0x383: {  	s0 =	rddreg [dreg:$0x0];
	s2 =	stileid.u32  }
0x384: {  	s1 =	rddreg [dreg:$0x1];
	p0 =	sne.s32 s2, $0x0  }
0x385: {  	s3 =	rddreg [dreg:$0x2];
	[bflag:$0x3] =	sbarrier.arrive $0xFFFF;
	s2 =	simm.s32 @!p0 $0x1C04  }
0x386: {  	[timem:s3], [sflag:s2] =	dma.local @!p0 [hbm:s0], s1  }
0x387: {  	s0 =	simm.s32 @!p0 $0x4  }
0x388: {  	_ =	swait.ge @!p0 [sflag:s0], s1  }
0x389: {  	s1 =	ssub.s32 @!p0 $0x0, s1;
	[sflag:s0] =	ssyncset.done @!p0 $0x0  }
0x38a: {  	[sflag:s0] =	ssyncadd.s32 @!p0 s1  }
0x38b: {  	[bflag:$0x3] =	sbarrier.arrive $0xFFFF  }
0x38c: {  	_ =	shalt  }

</sc_bundles>
